<compile_context>
chip_gen: v7x
topology: tpu7x:2x2x1
jax: 0.10.2.dev20260603
libtpu: 0.0.44.dev20260713+nightly
codegen_flags: <defaults>
</compile_context>

<pallas_src>
import functools
import jax
import jax.numpy as jnp
from jax import lax
from jax.experimental import pallas as pl
from jax.experimental.pallas import tpu as pltpu
from jax.experimental.pallas import tpu_sc as plsc

NUM_CLASSES = 8
MAX_TOTAL_SIZE = 100
NMS_IOU_THRESHOLD = 0.5
SCORE_THRESHOLD = 0.05
PRE_NMS_NUM_BOXES = 1000
BBOX_XFORM_CLIP = 4.135166556742356

P = 56
T = 128
NB = 8
KC = NB * T
NMERGE = 704



def _decode_kernel(box_ref, cls_ref, anc_ref, img_ref, boxes_out, scores_out):
    deltas = box_ref[0]
    anchors = anc_ref[0]
    ya = (anchors[0] + anchors[2]) * 0.5
    xa = (anchors[1] + anchors[3]) * 0.5
    ha = anchors[2] - anchors[0]
    wa = anchors[3] - anchors[1]
    ty, tx = deltas[0], deltas[1]
    th = jnp.clip(deltas[2], -BBOX_XFORM_CLIP, BBOX_XFORM_CLIP)
    tw = jnp.clip(deltas[3], -BBOX_XFORM_CLIP, BBOX_XFORM_CLIP)
    h = jnp.exp(th) * ha
    w = jnp.exp(tw) * wa
    yc = ty * ha + ya
    xc = tx * wa + xa
    y1 = yc - h * 0.5
    x1 = xc - w * 0.5
    y2 = yc + h * 0.5
    x2 = xc + w * 0.5
    bi = pl.program_id(0)
    ih = img_ref[bi, 0]
    iw = img_ref[bi, 1]
    y1 = jnp.minimum(jnp.maximum(y1, 0.0), ih)
    x1 = jnp.minimum(jnp.maximum(x1, 0.0), iw)
    y2 = jnp.minimum(jnp.maximum(y2, 0.0), ih)
    x2 = jnp.minimum(jnp.maximum(x2, 0.0), iw)
    boxes_out[0] = jnp.stack([y1, x1, y2, x2], axis=0)
    scores_out[0] = jax.nn.sigmoid(cls_ref[0])


def _decode_pallas(box_t, cls_t, anc_t, image_shape):
    b, _, n = box_t.shape
    c = cls_t.shape[1]
    return pl.pallas_call(
        _decode_kernel,
        out_shape=(
            jax.ShapeDtypeStruct((b, 4, n), jnp.float32),
            jax.ShapeDtypeStruct((b, c, n), jnp.float32),
        ),
        grid=(b,),
        in_specs=[
            pl.BlockSpec((1, 4, n), lambda i: (i, 0, 0)),
            pl.BlockSpec((1, c, n), lambda i: (i, 0, 0)),
            pl.BlockSpec((1, 4, n), lambda i: (i, 0, 0)),
            pl.BlockSpec((b, 2), lambda i: (0, 0)),
        ],
        out_specs=(
            pl.BlockSpec((1, 4, n), lambda i: (i, 0, 0)),
            pl.BlockSpec((1, c, n), lambda i: (i, 0, 0)),
        ),
    )(box_t, cls_t, anc_t, image_shape)



def _sc_gather_kernel(topi_hbm, boxflat_hbm,
                      oy1_hbm, ox1_hbm, oy2_hbm, ox2_hbm,
                      idxv, idx2, bdst, sem):
    n = 20000
    kc = KC
    info = plsc.get_sparse_core_info()
    nc = info.num_cores
    wid = lax.axis_index("s") * nc + lax.axis_index("c")
    out_refs = (oy1_hbm, ox1_hbm, oy2_hbm, ox2_hbm)
    for slot in range(2):
        p = wid if slot == 0 else jnp.where(wid < P - 32, wid + 32, wid)
        b = p // 7
        pltpu.sync_copy(topi_hbm.at[p], idxv)
        for d in range(4):
            base = (b * 4 + d) * n

            def mkidx(v, _):
                idx2[pl.ds(v * 16, 16)] = idxv[pl.ds(v * 16, 16)] + base
                return 0
            lax.fori_loop(0, kc // 16, mkidx, 0)
            pltpu.async_copy(boxflat_hbm.at[idx2], bdst, sem).wait()
            pltpu.sync_copy(bdst, out_refs[d].at[p])


def _sc_gather(topi, boxflat):
    mesh = plsc.VectorSubcoreMesh(core_axis_name="c", subcore_axis_name="s")
    out = jax.ShapeDtypeStruct((P, KC), jnp.float32)
    fn = functools.partial(
        pl.kernel,
        out_type=(out,) * 4,
        mesh=mesh,
        scratch_types=[
            pltpu.VMEM((KC,), jnp.int32),
            pltpu.VMEM((KC,), jnp.int32),
            pltpu.VMEM((KC,), jnp.float32),
            pltpu.SemaphoreType.DMA,
        ],
    )(_sc_gather_kernel)
    return fn(topi, boxflat)



def _iou(ay1, ax1, ay2, ax2, by1, bx1, by2, bx2):
    yy1 = jnp.maximum(ay1, by1)
    xx1 = jnp.maximum(ax1, bx1)
    yy2 = jnp.minimum(ay2, by2)
    xx2 = jnp.minimum(ax2, bx2)
    inter = jnp.maximum(yy2 - yy1, 0.0) * jnp.maximum(xx2 - xx1, 0.0)
    a1 = (ay2 - ay1) * (ax2 - ax1)
    a2 = (by2 - by1) * (bx2 - bx1)
    return inter / (a1 + a2 - inter + 1e-8)


def _nms_kernel(s_ref, y1_ref, x1_ref, y2_ref, x2_ref,
                y1c_ref, x1c_ref, y2c_ref, x2c_ref,
                ss_ref, sy1_ref, sx1_ref, sy2_ref, sx2_ref):
    iota_k = lax.broadcasted_iota(jnp.int32, (T, T, 1), 0)
    iota_i = lax.broadcasted_iota(jnp.int32, (T, T, 1), 1)
    tri_ki = iota_i < iota_k
    iota_o = lax.broadcasted_iota(jnp.int32, (T, 1, 1), 0).astype(jnp.float32)

    def blk_cond(st):
        j, cnt, _, _, _, _, _ = st
        return (j < NB) & jnp.any(cnt < float(MAX_TOTAL_SIZE))

    def blk_body(st):
        j, cnt, ss, sy1, sx1, sy2, sx2 = st
        sb = s_ref[j]
        by1, bx1, by2, bx2 = y1_ref[j], x1_ref[j], y2_ref[j], x2_ref[j]
        cy1, cx1, cy2, cx2 = y1c_ref[j], x1c_ref[j], y2c_ref[j], x2c_ref[j]
        active0 = sb >= 0.0
        iou_ps = _iou(cy1, cx1, cy2, cx2,
                      sy1[None], sx1[None], sy2[None], sx2[None])
        active0 = active0 & ~jnp.any(iou_ps > NMS_IOU_THRESHOLD, axis=1)
        iou_bb = _iou(cy1, cx1, cy2, cx2,
                      by1[None], bx1[None], by2[None], bx2[None])
        can_supf = jnp.where((iou_bb > NMS_IOU_THRESHOLD) & tri_ki, 1.0, 0.0)

        def f_cond(fs):
            _, changed, it = fs
            return (changed > 0) & (it < T)

        def f_body(fs):
            Sf, _, it = fs
            supped = jnp.max(Sf[None] * can_supf, axis=1)
            Snf = jnp.where(active0 & (supped <= 0.0), 1.0, 0.0)
            chg = jnp.any(Snf != Sf).astype(jnp.int32)
            return Snf, chg, it + 1

        Sf, _, _ = lax.while_loop(
            f_cond, f_body,
            (jnp.where(active0, 1.0, 0.0), jnp.int32(1), jnp.int32(0)))
        S = Sf > 0.0
        pos_in = jnp.sum(jnp.where(tri_ki, Sf[None], 0.0), axis=1)
        pos = cnt + pos_in
        emit = S & (pos < float(MAX_TOTAL_SIZE))
        ohf = jnp.where(emit[None] & (pos[None] == iota_o), 1.0, 0.0)
        hit = jnp.sum(ohf, axis=1) > 0.0

        def emit_val(v):
            return jnp.sum(ohf * v[None], axis=1)

        ss = jnp.where(hit, emit_val(sb), ss)
        sy1 = jnp.where(hit, emit_val(by1), sy1)
        sx1 = jnp.where(hit, emit_val(bx1), sx1)
        sy2 = jnp.where(hit, emit_val(by2), sy2)
        sx2 = jnp.where(hit, emit_val(bx2), sx2)
        cnt = cnt + jnp.sum(Sf, axis=0, keepdims=True)
        return j + 1, cnt, ss, sy1, sx1, sy2, sx2

    init = (jnp.int32(0), jnp.zeros((1, P), jnp.float32),
            jnp.full((T, P), -1.0, jnp.float32),
            jnp.zeros((T, P), jnp.float32), jnp.zeros((T, P), jnp.float32),
            jnp.zeros((T, P), jnp.float32), jnp.zeros((T, P), jnp.float32))
    _, _, ss, sy1, sx1, sy2, sx2 = lax.while_loop(blk_cond, blk_body, init)
    ss_ref[...] = ss
    sy1_ref[...] = sy1
    sx1_ref[...] = sx1
    sy2_ref[...] = sy2
    sx2_ref[...] = sx2


def _nms_pallas(s3, planes3):
    planes4 = [q[:, :, None, :] for q in planes3]
    out = jax.ShapeDtypeStruct((T, P), jnp.float32)
    return pl.pallas_call(
        _nms_kernel,
        out_shape=(out,) * 5,
    )(s3, *planes3, *planes4)



def _merge_kernel(srow_ref, scol_ref, y1_ref, x1_ref, y2_ref, x2_ref,
                  cls_ref, vals_ref, valid_ref):
    srow = srow_ref[0]
    scol = scol_ref[0]
    gt = jnp.where(srow > scol, 1.0, 0.0)
    iota_j = lax.broadcasted_iota(jnp.int32, (NMERGE, NMERGE), 1)
    iota_i = lax.broadcasted_iota(jnp.int32, (NMERGE, NMERGE), 0)
    tie = jnp.where((srow == scol) & (iota_j < iota_i), 1.0, 0.0)
    rank = jnp.sum(gt + tie, axis=1, keepdims=True)
    iota_o = lax.broadcasted_iota(jnp.int32, (1, T), 1).astype(jnp.float32)
    oh = jnp.where(rank == iota_o, 1.0, 0.0)

    def emit(vcol_ref):
        return jnp.sum(oh * vcol_ref[0], axis=0, keepdims=True)

    out_s = emit(scol_ref)
    vals_ref[0, 0:1, :] = out_s
    vals_ref[0, 1:2, :] = emit(y1_ref)
    vals_ref[0, 2:3, :] = emit(x1_ref)
    vals_ref[0, 3:4, :] = emit(y2_ref)
    vals_ref[0, 4:5, :] = emit(x2_ref)
    vals_ref[0, 5:6, :] = emit(cls_ref)
    nvalid = jnp.sum(jnp.where((out_s > -1.0) & (iota_o < float(MAX_TOTAL_SIZE)),
                               1.0, 0.0), axis=1, keepdims=True)
    valid_ref[0] = jnp.broadcast_to(nvalid, (1, T)).astype(jnp.int32)


def _merge_pallas(srow, scol, y1c, x1c, y2c, x2c, clsc):
    b = srow.shape[0]
    row_spec = pl.BlockSpec((1, 1, NMERGE), lambda i: (i, 0, 0))
    col_spec = pl.BlockSpec((1, NMERGE, 1), lambda i: (i, 0, 0))
    return pl.pallas_call(
        _merge_kernel,
        out_shape=(
            jax.ShapeDtypeStruct((b, 6, T), jnp.float32),
            jax.ShapeDtypeStruct((b, 1, T), jnp.int32),
        ),
        grid=(b,),
        in_specs=[row_spec] + [col_spec] * 6,
        out_specs=(
            pl.BlockSpec((1, 6, T), lambda i: (i, 0, 0)),
            pl.BlockSpec((1, 1, T), lambda i: (i, 0, 0)),
        ),
    )(srow, scol, y1c, x1c, y2c, x2c, clsc)



@jax.jit
def kernel(box_outputs, class_outputs, anchor_boxes, image_shape):
    b, n, _ = box_outputs.shape
    boxes_t, scores_t = _decode_pallas(
        box_outputs.transpose(0, 2, 1), class_outputs.transpose(0, 2, 1),
        anchor_boxes.transpose(0, 2, 1), image_shape)
    scores56 = scores_t[:, 1:, :].reshape(P, n)
    k = min(n, PRE_NMS_NUM_BOXES)
    topv, topi = lax.top_k(scores56, k)
    pad = KC - k
    sv = jnp.where(topv >= SCORE_THRESHOLD, topv, -1.0)
    sv = jnp.concatenate([sv, jnp.full((P, pad), -1.0, jnp.float32)], axis=1)
    topi = jnp.concatenate([topi, jnp.zeros((P, pad), jnp.int32)], axis=1)
    boxflat = boxes_t.reshape(b * 4 * n)
    cy1, cx1, cy2, cx2 = _sc_gather(topi, boxflat)

    def to3(a):
        return a.reshape(P, NB, T).transpose(1, 2, 0)

    ss, sy1, sx1, sy2, sx2 = _nms_pallas(
        to3(sv), [to3(q) for q in (cy1, cx1, cy2, cx2)])
    ss, sy1, sx1, sy2, sx2 = (a.T for a in (ss, sy1, sx1, sy2, sx2))

    def to_m(a):
        return a.reshape(b, 7, T)[:, :, :MAX_TOTAL_SIZE] \
                .reshape(b, 7 * MAX_TOTAL_SIZE)

    s_m = to_m(ss)
    cls_m = jnp.broadcast_to(
        jnp.arange(7, dtype=jnp.float32)[None, :, None],
        (b, 7, MAX_TOTAL_SIZE)).reshape(b, 7 * MAX_TOTAL_SIZE)
    padm = NMERGE - 7 * MAX_TOTAL_SIZE
    s_m = jnp.concatenate([s_m, jnp.full((b, padm), -2.0, jnp.float32)], axis=1)

    def padz(a):
        return jnp.concatenate([a, jnp.zeros((b, padm), jnp.float32)], axis=1)

    cols = [s_m[:, :, None]] + \
           [padz(to_m(q))[:, :, None] for q in (sy1, sx1, sy2, sx2)] + \
           [padz(cls_m)[:, :, None]]
    vals, valid = _merge_pallas(s_m[:, None, :], *cols)
    final_scores = vals[:, 0, :MAX_TOTAL_SIZE]
    final_boxes = vals[:, 1:5, :MAX_TOTAL_SIZE].transpose(0, 2, 1)
    final_classes = vals[:, 5, :MAX_TOTAL_SIZE].astype(jnp.int32)
    valid_detections = valid[:, 0, 0]
    return final_boxes, final_scores, final_classes, valid_detections

# --- scband reference (transcript-rebuilt; emitter-appended) ---
"""Pipeline reference for scband-generate-one-stage-detections-32555852104108 (READ-ONLY COPY).

The authoritative reference and input builder live on the scoring server;
editing this copy changes nothing except your own understanding.
"""

import jax, jax.numpy as jnp
import numpy as np

B, N = 8, 20000
NUM_CLASSES = 8
MAX_TOTAL_SIZE = 100
NMS_IOU_THRESHOLD = 0.5
SCORE_THRESHOLD = 0.05
PRE_NMS_NUM_BOXES = 1000
BBOX_XFORM_CLIP = 4.135166556742356


def setup_inputs(seed: int = 0) -> dict:
    key = jax.random.key(seed)
    k1, k2, k3, k4, k5 = jax.random.split(key, 5)
    box_outputs = jax.random.normal(k1, (B, N, 4), dtype=jnp.float32)
    class_outputs = jax.random.normal(k2, (B, N, NUM_CLASSES), dtype=jnp.float32)
    cy = jax.random.uniform(k3, (B, N), dtype=jnp.float32) * 1024.0
    cx = jax.random.uniform(k4, (B, N), dtype=jnp.float32) * 1024.0
    sz = jax.random.uniform(k5, (B, N, 2), dtype=jnp.float32) * 192.0 + 32.0
    anchor_boxes = jnp.stack([cy - sz[..., 0] * 0.5, cx - sz[..., 1] * 0.5,
                              cy + sz[..., 0] * 0.5, cx + sz[..., 1] * 0.5], axis=-1)
    image_shape = jnp.full((B, 2), 1024.0, dtype=jnp.float32)
    return {"box_outputs": box_outputs, "class_outputs": class_outputs,
            "anchor_boxes": anchor_boxes, "image_shape": image_shape}


def _decode_boxes(deltas, anchors):
    ya = (anchors[..., 0] + anchors[..., 2]) * 0.5
    xa = (anchors[..., 1] + anchors[..., 3]) * 0.5
    ha = anchors[..., 2] - anchors[..., 0]
    wa = anchors[..., 3] - anchors[..., 1]
    ty, tx = deltas[..., 0], deltas[..., 1]
    th = jnp.clip(deltas[..., 2], -BBOX_XFORM_CLIP, BBOX_XFORM_CLIP)
    tw = jnp.clip(deltas[..., 3], -BBOX_XFORM_CLIP, BBOX_XFORM_CLIP)
    h = jnp.exp(th) * ha
    w = jnp.exp(tw) * wa
    yc = ty * ha + ya
    xc = tx * wa + xa
    return jnp.stack([yc - h * 0.5, xc - w * 0.5, yc + h * 0.5, xc + w * 0.5], axis=-1)


def _clip_boxes(boxes, image_shape):
    h = image_shape[:, 0][:, None]
    w = image_shape[:, 1][:, None]
    y1 = jnp.minimum(jnp.maximum(boxes[..., 0], 0.0), h)
    x1 = jnp.minimum(jnp.maximum(boxes[..., 1], 0.0), w)
    y2 = jnp.minimum(jnp.maximum(boxes[..., 2], 0.0), h)
    x2 = jnp.minimum(jnp.maximum(boxes[..., 3], 0.0), w)
    return jnp.stack([y1, x1, y2, x2], axis=-1)


def _iou_one_vs_all(box, boxes):
    yy1 = jnp.maximum(box[0], boxes[:, 0])
    xx1 = jnp.maximum(box[1], boxes[:, 1])
    yy2 = jnp.minimum(box[2], boxes[:, 2])
    xx2 = jnp.minimum(box[3], boxes[:, 3])
    inter = jnp.maximum(yy2 - yy1, 0.0) * jnp.maximum(xx2 - xx1, 0.0)
    a1 = (box[2] - box[0]) * (box[3] - box[1])
    a2 = (boxes[:, 2] - boxes[:, 0]) * (boxes[:, 3] - boxes[:, 1])
    return inter / (a1 + a2 - inter + 1e-8)


def _sorted_nms_padded(scores, boxes):
    # scores [k] sorted desc (filtered entries are -1), boxes [k,4]
    suppressed0 = scores < 0.0
    def step(sup, _):
        avail = jnp.where(sup, -jnp.inf, scores)
        idx = jnp.argmax(avail)
        valid = avail[idx] > -jnp.inf
        box = jnp.where(valid, boxes[idx], jnp.zeros((4,), boxes.dtype))
        score = jnp.where(valid, scores[idx], -1.0)
        ious = _iou_one_vs_all(box, boxes)
        sup = sup | (ious > NMS_IOU_THRESHOLD)
        sup = sup.at[idx].set(True)
        return sup, (box, score)
    _, (sel_boxes, sel_scores) = jax.lax.scan(step, suppressed0, None, length=MAX_TOTAL_SIZE)
    return sel_scores, sel_boxes


def _generate_detections(box_outputs, class_outputs, anchor_boxes, image_shape):
    b = box_outputs.shape[0]
    nc = class_outputs.shape[-1]
    # SIGMOID score activation + background (class 0) removal
    scores_all = jax.nn.sigmoid(class_outputs.reshape(b, -1, nc))[..., 1:]
    boxes = _decode_boxes(box_outputs, anchor_boxes)
    boxes = _clip_boxes(boxes, image_shape)
    k = min(boxes.shape[1], PRE_NMS_NUM_BOXES)
    nmsed_boxes, nmsed_scores, nmsed_classes = [], [], []
    for i in range(nc - 1):
        s_i, idx = jax.lax.top_k(scores_all[:, :, i], k)
        b_i = jnp.take_along_axis(boxes, idx[..., None], axis=1)
        mask = s_i >= SCORE_THRESHOLD
        s_i = jnp.where(mask, s_i, -1.0)
        b_i = jnp.where(mask[..., None], b_i, 0.0)
        ns, nb = jax.vmap(_sorted_nms_padded)(s_i, b_i)
        nmsed_boxes.append(nb)
        nmsed_scores.append(ns)
        nmsed_classes.append(jnp.full((b, MAX_TOTAL_SIZE), i, dtype=jnp.int32))
    boxes_c = jnp.concatenate(nmsed_boxes, axis=1)
    scores_c = jnp.concatenate(nmsed_scores, axis=1)
    classes_c = jnp.concatenate(nmsed_classes, axis=1)
    final_scores, idx = jax.lax.top_k(scores_c, MAX_TOTAL_SIZE)
    final_boxes = jnp.take_along_axis(boxes_c, idx[..., None], axis=1)
    final_classes = jnp.take_along_axis(classes_c, idx, axis=1)
    valid_detections = jnp.sum((final_scores > -1.0).astype(jnp.int32), axis=1)
    return final_boxes, final_scores, final_classes, valid_detections


def reference(box_outputs, class_outputs, anchor_boxes, image_shape):
    return _generate_detections(box_outputs, class_outputs, anchor_boxes, image_shape)

if __name__ == "__main__":
    import jax
    _d = setup_inputs()
    print(jax.jit(kernel)(*tuple(_d.values())))

</pallas_src>

<mosaic_0001>
#map = affine_map<(d0, d1) -> (0, 0)>
#map1 = affine_map<(d0, d1) -> (0)>
module attributes {stable_mosaic.version = 14 : i64} {
  func.func @_sc_gather_kernel(%arg0: i32, %arg1: i32, %arg2: memref<56x1024xi32, #tpu.memory_space<hbm>>, %arg3: memref<640000xf32, #tpu.memory_space<hbm>>, %arg4: memref<56x1024xf32, #tpu.memory_space<hbm>>, %arg5: memref<56x1024xf32, #tpu.memory_space<hbm>>, %arg6: memref<56x1024xf32, #tpu.memory_space<hbm>>, %arg7: memref<56x1024xf32, #tpu.memory_space<hbm>>, %arg8: memref<1024xi32, #tpu.memory_space<vmem>>, %arg9: memref<1024xi32, #tpu.memory_space<vmem>>, %arg10: memref<1024xf32, #tpu.memory_space<vmem>>, %arg11: memref<!tpu.dma_semaphore, #tpu.memory_space<semaphore_mem>>) attributes {dimension_semantics = [#tpu.dimension_semantics<core_parallel>, #tpu.dimension_semantics<subcore_parallel>], iteration_bounds = array<i64: 2, 16>, scalar_prefetch = 0 : i64, scratch_operands = 4 : i64, tpu.core_type = #tpu.core_type<sc_vector_subcore>, window_params = [{transform_indices = #map}, {transform_indices = #map1}, {transform_indices = #map}, {transform_indices = #map}, {transform_indices = #map}, {transform_indices = #map}]} {
    %mul3A = arith.constant 2 : i32
    %mul3A_0 = arith.muli %arg1, %mul3A : i32
    %add3A = arith.addi %mul3A_0, %arg0 : i32
    %jit3A = arith.constant 7 : i32
    %div3A = arith.divsi %add3A, %jit3A : i32
    %sign3A = arith.constant 0 : i32
    %sign3A_1 = arith.cmpi sgt, %add3A, %sign3A : i32
    %sign3A_2 = arith.extui %sign3A_1 : i1 to i32
    %sign3A_3 = arith.constant 0 : i32
    %sign3A_4 = arith.cmpi slt, %add3A, %sign3A_3 : i32
    %sign3A_5 = arith.extui %sign3A_4 : i1 to i32
    %sign3A_6 = arith.subi %sign3A_2, %sign3A_5 : i32
    %sign3A_7 = arith.constant 0 : i32
    %sign3A_8 = arith.cmpi sgt, %jit3A, %sign3A_7 : i32
    %sign3A_9 = arith.extui %sign3A_8 : i1 to i32
    %sign3A_10 = arith.constant 0 : i32
    %sign3A_11 = arith.cmpi slt, %jit3A, %sign3A_10 : i32
    %sign3A_12 = arith.extui %sign3A_11 : i1 to i32
    %sign3A_13 = arith.subi %sign3A_9, %sign3A_12 : i32
    %ne3A = arith.cmpi ne, %sign3A_6, %sign3A_13 : i32
    %rem3A = arith.remsi %add3A, %jit3A : i32
    %ne3A_14 = arith.constant 0 : i32
    %ne3A_15 = arith.cmpi ne, %rem3A, %ne3A_14 : i32
    %and3A = arith.andi %ne3A, %ne3A_15 : i1
    %sub3A = arith.constant 1 : i32
    %sub3A_16 = arith.subi %div3A, %sub3A : i32
    %select_n3A = arith.select %and3A, %sub3A_16, %div3A : i32
    "tpu.region"() ({
      %run_scoped3A = tpu.sem_alloc : memref<!tpu.dma_semaphore, #tpu.memory_space<semaphore_mem>>
      %dma_start3A_178 = arith.constant 0 : i32
      %dma_start3A_179 = tpu.memref_slice %arg2[%add3A, %dma_start3A_178] : memref<56x1024xi32, #tpu.memory_space<hbm>> -> memref<1x1024xi32, #tpu.memory_space<hbm>>
      %dma_start3A_180 = tpu.memref_squeeze %dma_start3A_179 : memref<1x1024xi32, #tpu.memory_space<hbm>> -> memref<1024xi32, #tpu.memory_space<hbm>>
      %dma_start3A_181 = arith.constant 0 : i32
      %dma_start3A_182 = tpu.memref_slice %arg2[%add3A, %dma_start3A_181] : memref<56x1024xi32, #tpu.memory_space<hbm>> -> memref<1x1024xi32, #tpu.memory_space<hbm>>
      %dma_start3A_183 = tpu.memref_squeeze %dma_start3A_182 : memref<1x1024xi32, #tpu.memory_space<hbm>> -> memref<1024xi32, #tpu.memory_space<hbm>>
      tpu.enqueue_dma source(%dma_start3A_183 : memref<1024xi32, #tpu.memory_space<hbm>>) target(%arg8 : memref<1024xi32, #tpu.memory_space<vmem>>) target_semaphore(%run_scoped3A : memref<!tpu.dma_semaphore, #tpu.memory_space<semaphore_mem>>)
      %dma_wait3A_184 = arith.constant 0 : i32
      %dma_wait3A_185 = tpu.memref_slice %arg2[%add3A, %dma_wait3A_184] : memref<56x1024xi32, #tpu.memory_space<hbm>> -> memref<1x1024xi32, #tpu.memory_space<hbm>>
      %dma_wait3A_186 = tpu.memref_squeeze %dma_wait3A_185 : memref<1x1024xi32, #tpu.memory_space<hbm>> -> memref<1024xi32, #tpu.memory_space<hbm>>
      %dma_wait3A_187 = arith.constant 0 : i32
      %dma_wait3A_188 = tpu.memref_slice %arg2[%add3A, %dma_wait3A_187] : memref<56x1024xi32, #tpu.memory_space<hbm>> -> memref<1x1024xi32, #tpu.memory_space<hbm>>
      %dma_wait3A_189 = tpu.memref_squeeze %dma_wait3A_188 : memref<1x1024xi32, #tpu.memory_space<hbm>> -> memref<1024xi32, #tpu.memory_space<hbm>>
      tpu.wait_dma2 semaphore(%run_scoped3A : memref<!tpu.dma_semaphore, #tpu.memory_space<semaphore_mem>>) src(%dma_wait3A_189 : memref<1024xi32, #tpu.memory_space<hbm>>) dst(%arg8 : memref<1024xi32, #tpu.memory_space<vmem>>)
      tpu.yield
    }) : () -> ()
    %mul3A_17 = arith.constant 4 : i32
    %mul3A_18 = arith.muli %select_n3A, %mul3A_17 : i32
    %add3A_19 = arith.constant 0 : i32
    %add3A_20 = arith.addi %mul3A_18, %add3A_19 : i32
    %mul3A_21 = arith.constant 20000 : i32
    %mul3A_22 = arith.muli %add3A_20, %mul3A_21 : i32
    %scan3A = arith.constant 0 : i32
    %scan3A_23 = arith.constant 0 : i32
    %scan3A_24 = arith.constant 64 : i32
    %scan3A_25 = arith.addi %scan3A_23, %scan3A_24 : i32
    %scan3A_26 = arith.constant 1 : i32
    %scan3A_27 = scf.for %scan3A_178 = %scan3A_23 to %scan3A_25 step %scan3A_26 iter_args(%scan3A_179 = %scan3A) -> (i32)  : i32 {
      %mul3A_180 = arith.constant 16 : i32
      %mul3A_181 = arith.muli %scan3A_178, %mul3A_180 : i32
      %get3A = arith.index_cast %mul3A_181 : i32 to index
      %get3A_182 = tpu.vector_load %arg8[%get3A] {strides = array<i32>} : memref<1024xi32, #tpu.memory_space<vmem>>, vector<16xi32>,
      %get3A_183 = vector.shape_cast %get3A_182 : vector<16xi32> to vector<16xi32>
      %add3A_184 = vector.broadcast %mul3A_22 : i32 to vector<16xi32>
      %add3A_185 = arith.addi %get3A_183, %add3A_184 : vector<16xi32>
      %mul3A_186 = arith.constant 16 : i32
      %mul3A_187 = arith.muli %scan3A_178, %mul3A_186 : i32
      %swap3A = arith.index_cast %mul3A_187 : i32 to index
      %swap3A_188 = tpu.vector_load %arg9[%swap3A] {strides = array<i32>} : memref<1024xi32, #tpu.memory_space<vmem>>, vector<16xi32>,
      %swap3A_189 = vector.shape_cast %swap3A_188 : vector<16xi32> to vector<16xi32>
      %swap3A_190 = vector.shape_cast %add3A_185 : vector<16xi32> to vector<16xi32>
      tpu.vector_store %arg9[%swap3A], %swap3A_190 {strides = array<i32>} : memref<1024xi32, #tpu.memory_space<vmem>>, vector<16xi32>,
      %scan3A_191 = arith.constant 0 : i32
      scf.yield %scan3A_191 : i32
    }
    %scan3A_28 = arith.constant 64 : i32
    %dma_start3A = arith.constant 0 : i32
    %dma_start3A_29 = tpu.memref_slice %arg3[%dma_start3A] : memref<640000xf32, #tpu.memory_space<hbm>> -> memref<640000xf32, #tpu.memory_space<hbm>>
    tpu.enqueue_indirect_dma source(%dma_start3A_29 : memref<640000xf32, #tpu.memory_space<hbm>>) target(%arg10 : memref<1024xf32, #tpu.memory_space<vmem>>) offsets(%arg9 : memref<1024xi32, #tpu.memory_space<vmem>>) semaphore(%arg11 : memref<!tpu.dma_semaphore, #tpu.memory_space<semaphore_mem>>)
    %dma_wait3A = arith.constant 0 : i32
    %dma_wait3A_30 = tpu.memref_slice %arg3[%dma_wait3A] : memref<640000xf32, #tpu.memory_space<hbm>> -> memref<640000xf32, #tpu.memory_space<hbm>>
    tpu.wait_indirect_dma semaphore(%arg11 : memref<!tpu.dma_semaphore, #tpu.memory_space<semaphore_mem>>) src(%dma_wait3A_30 : memref<640000xf32, #tpu.memory_space<hbm>>) dst(%arg10 : memref<1024xf32, #tpu.memory_space<vmem>>)
    "tpu.region"() ({
      %run_scoped3A = tpu.sem_alloc : memref<!tpu.dma_semaphore, #tpu.memory_space<semaphore_mem>>
      %dma_start3A_178 = arith.constant 0 : i32
      %dma_start3A_179 = tpu.memref_slice %arg4[%add3A, %dma_start3A_178] : memref<56x1024xf32, #tpu.memory_space<hbm>> -> memref<1x1024xf32, #tpu.memory_space<hbm>>
      %dma_start3A_180 = tpu.memref_squeeze %dma_start3A_179 : memref<1x1024xf32, #tpu.memory_space<hbm>> -> memref<1024xf32, #tpu.memory_space<hbm>>
      %dma_start3A_181 = arith.constant 0 : i32
      %dma_start3A_182 = tpu.memref_slice %arg4[%add3A, %dma_start3A_181] : memref<56x1024xf32, #tpu.memory_space<hbm>> -> memref<1x1024xf32, #tpu.memory_space<hbm>>
      %dma_start3A_183 = tpu.memref_squeeze %dma_start3A_182 : memref<1x1024xf32, #tpu.memory_space<hbm>> -> memref<1024xf32, #tpu.memory_space<hbm>>
      tpu.enqueue_dma source(%arg10 : memref<1024xf32, #tpu.memory_space<vmem>>) target(%dma_start3A_183 : memref<1024xf32, #tpu.memory_space<hbm>>) target_semaphore(%run_scoped3A : memref<!tpu.dma_semaphore, #tpu.memory_space<semaphore_mem>>)
      %dma_wait3A_184 = arith.constant 0 : i32
      %dma_wait3A_185 = tpu.memref_slice %arg4[%add3A, %dma_wait3A_184] : memref<56x1024xf32, #tpu.memory_space<hbm>> -> memref<1x1024xf32, #tpu.memory_space<hbm>>
      %dma_wait3A_186 = tpu.memref_squeeze %dma_wait3A_185 : memref<1x1024xf32, #tpu.memory_space<hbm>> -> memref<1024xf32, #tpu.memory_space<hbm>>
      %dma_wait3A_187 = arith.constant 0 : i32
      %dma_wait3A_188 = tpu.memref_slice %arg4[%add3A, %dma_wait3A_187] : memref<56x1024xf32, #tpu.memory_space<hbm>> -> memref<1x1024xf32, #tpu.memory_space<hbm>>
      %dma_wait3A_189 = tpu.memref_squeeze %dma_wait3A_188 : memref<1x1024xf32, #tpu.memory_space<hbm>> -> memref<1024xf32, #tpu.memory_space<hbm>>
      tpu.wait_dma2 semaphore(%run_scoped3A : memref<!tpu.dma_semaphore, #tpu.memory_space<semaphore_mem>>) src(%arg10 : memref<1024xf32, #tpu.memory_space<vmem>>) dst(%dma_wait3A_189 : memref<1024xf32, #tpu.memory_space<hbm>>)
      tpu.yield
    }) : () -> ()
    %mul3A_31 = arith.constant 4 : i32
    %mul3A_32 = arith.muli %select_n3A, %mul3A_31 : i32
    %add3A_33 = arith.constant 1 : i32
    %add3A_34 = arith.addi %mul3A_32, %add3A_33 : i32
    %mul3A_35 = arith.constant 20000 : i32
    %mul3A_36 = arith.muli %add3A_34, %mul3A_35 : i32
    %scan3A_37 = arith.constant 0 : i32
    %scan3A_38 = arith.constant 0 : i32
    %scan3A_39 = arith.constant 64 : i32
    %scan3A_40 = arith.addi %scan3A_38, %scan3A_39 : i32
    %scan3A_41 = arith.constant 1 : i32
    %scan3A_42 = scf.for %scan3A_178 = %scan3A_38 to %scan3A_40 step %scan3A_41 iter_args(%scan3A_179 = %scan3A_37) -> (i32)  : i32 {
      %mul3A_180 = arith.constant 16 : i32
      %mul3A_181 = arith.muli %scan3A_178, %mul3A_180 : i32
      %get3A = arith.index_cast %mul3A_181 : i32 to index
      %get3A_182 = tpu.vector_load %arg8[%get3A] {strides = array<i32>} : memref<1024xi32, #tpu.memory_space<vmem>>, vector<16xi32>,
      %get3A_183 = vector.shape_cast %get3A_182 : vector<16xi32> to vector<16xi32>
      %add3A_184 = vector.broadcast %mul3A_36 : i32 to vector<16xi32>
      %add3A_185 = arith.addi %get3A_183, %add3A_184 : vector<16xi32>
      %mul3A_186 = arith.constant 16 : i32
      %mul3A_187 = arith.muli %scan3A_178, %mul3A_186 : i32
      %swap3A = arith.index_cast %mul3A_187 : i32 to index
      %swap3A_188 = tpu.vector_load %arg9[%swap3A] {strides = array<i32>} : memref<1024xi32, #tpu.memory_space<vmem>>, vector<16xi32>,
      %swap3A_189 = vector.shape_cast %swap3A_188 : vector<16xi32> to vector<16xi32>
      %swap3A_190 = vector.shape_cast %add3A_185 : vector<16xi32> to vector<16xi32>
      tpu.vector_store %arg9[%swap3A], %swap3A_190 {strides = array<i32>} : memref<1024xi32, #tpu.memory_space<vmem>>, vector<16xi32>,
      %scan3A_191 = arith.constant 0 : i32
      scf.yield %scan3A_191 : i32
    }
    %scan3A_43 = arith.constant 64 : i32
    %dma_start3A_44 = arith.constant 0 : i32
    %dma_start3A_45 = tpu.memref_slice %arg3[%dma_start3A_44] : memref<640000xf32, #tpu.memory_space<hbm>> -> memref<640000xf32, #tpu.memory_space<hbm>>
    tpu.enqueue_indirect_dma source(%dma_start3A_45 : memref<640000xf32, #tpu.memory_space<hbm>>) target(%arg10 : memref<1024xf32, #tpu.memory_space<vmem>>) offsets(%arg9 : memref<1024xi32, #tpu.memory_space<vmem>>) semaphore(%arg11 : memref<!tpu.dma_semaphore, #tpu.memory_space<semaphore_mem>>)
    %dma_wait3A_46 = arith.constant 0 : i32
    %dma_wait3A_47 = tpu.memref_slice %arg3[%dma_wait3A_46] : memref<640000xf32, #tpu.memory_space<hbm>> -> memref<640000xf32, #tpu.memory_space<hbm>>
    tpu.wait_indirect_dma semaphore(%arg11 : memref<!tpu.dma_semaphore, #tpu.memory_space<semaphore_mem>>) src(%dma_wait3A_47 : memref<640000xf32, #tpu.memory_space<hbm>>) dst(%arg10 : memref<1024xf32, #tpu.memory_space<vmem>>)
    "tpu.region"() ({
      %run_scoped3A = tpu.sem_alloc : memref<!tpu.dma_semaphore, #tpu.memory_space<semaphore_mem>>
      %dma_start3A_178 = arith.constant 0 : i32
      %dma_start3A_179 = tpu.memref_slice %arg5[%add3A, %dma_start3A_178] : memref<56x1024xf32, #tpu.memory_space<hbm>> -> memref<1x1024xf32, #tpu.memory_space<hbm>>
      %dma_start3A_180 = tpu.memref_squeeze %dma_start3A_179 : memref<1x1024xf32, #tpu.memory_space<hbm>> -> memref<1024xf32, #tpu.memory_space<hbm>>
      %dma_start3A_181 = arith.constant 0 : i32
      %dma_start3A_182 = tpu.memref_slice %arg5[%add3A, %dma_start3A_181] : memref<56x1024xf32, #tpu.memory_space<hbm>> -> memref<1x1024xf32, #tpu.memory_space<hbm>>
      %dma_start3A_183 = tpu.memref_squeeze %dma_start3A_182 : memref<1x1024xf32, #tpu.memory_space<hbm>> -> memref<1024xf32, #tpu.memory_space<hbm>>
      tpu.enqueue_dma source(%arg10 : memref<1024xf32, #tpu.memory_space<vmem>>) target(%dma_start3A_183 : memref<1024xf32, #tpu.memory_space<hbm>>) target_semaphore(%run_scoped3A : memref<!tpu.dma_semaphore, #tpu.memory_space<semaphore_mem>>)
      %dma_wait3A_184 = arith.constant 0 : i32
      %dma_wait3A_185 = tpu.memref_slice %arg5[%add3A, %dma_wait3A_184] : memref<56x1024xf32, #tpu.memory_space<hbm>> -> memref<1x1024xf32, #tpu.memory_space<hbm>>
      %dma_wait3A_186 = tpu.memref_squeeze %dma_wait3A_185 : memref<1x1024xf32, #tpu.memory_space<hbm>> -> memref<1024xf32, #tpu.memory_space<hbm>>
      %dma_wait3A_187 = arith.constant 0 : i32
      %dma_wait3A_188 = tpu.memref_slice %arg5[%add3A, %dma_wait3A_187] : memref<56x1024xf32, #tpu.memory_space<hbm>> -> memref<1x1024xf32, #tpu.memory_space<hbm>>
      %dma_wait3A_189 = tpu.memref_squeeze %dma_wait3A_188 : memref<1x1024xf32, #tpu.memory_space<hbm>> -> memref<1024xf32, #tpu.memory_space<hbm>>
      tpu.wait_dma2 semaphore(%run_scoped3A : memref<!tpu.dma_semaphore, #tpu.memory_space<semaphore_mem>>) src(%arg10 : memref<1024xf32, #tpu.memory_space<vmem>>) dst(%dma_wait3A_189 : memref<1024xf32, #tpu.memory_space<hbm>>)
      tpu.yield
    }) : () -> ()
    %mul3A_48 = arith.constant 4 : i32
    %mul3A_49 = arith.muli %select_n3A, %mul3A_48 : i32
    %add3A_50 = arith.constant 2 : i32
    %add3A_51 = arith.addi %mul3A_49, %add3A_50 : i32
    %mul3A_52 = arith.constant 20000 : i32
    %mul3A_53 = arith.muli %add3A_51, %mul3A_52 : i32
    %scan3A_54 = arith.constant 0 : i32
    %scan3A_55 = arith.constant 0 : i32
    %scan3A_56 = arith.constant 64 : i32
    %scan3A_57 = arith.addi %scan3A_55, %scan3A_56 : i32
    %scan3A_58 = arith.constant 1 : i32
    %scan3A_59 = scf.for %scan3A_178 = %scan3A_55 to %scan3A_57 step %scan3A_58 iter_args(%scan3A_179 = %scan3A_54) -> (i32)  : i32 {
      %mul3A_180 = arith.constant 16 : i32
      %mul3A_181 = arith.muli %scan3A_178, %mul3A_180 : i32
      %get3A = arith.index_cast %mul3A_181 : i32 to index
      %get3A_182 = tpu.vector_load %arg8[%get3A] {strides = array<i32>} : memref<1024xi32, #tpu.memory_space<vmem>>, vector<16xi32>,
      %get3A_183 = vector.shape_cast %get3A_182 : vector<16xi32> to vector<16xi32>
      %add3A_184 = vector.broadcast %mul3A_53 : i32 to vector<16xi32>
      %add3A_185 = arith.addi %get3A_183, %add3A_184 : vector<16xi32>
      %mul3A_186 = arith.constant 16 : i32
      %mul3A_187 = arith.muli %scan3A_178, %mul3A_186 : i32
      %swap3A = arith.index_cast %mul3A_187 : i32 to index
      %swap3A_188 = tpu.vector_load %arg9[%swap3A] {strides = array<i32>} : memref<1024xi32, #tpu.memory_space<vmem>>, vector<16xi32>,
      %swap3A_189 = vector.shape_cast %swap3A_188 : vector<16xi32> to vector<16xi32>
      %swap3A_190 = vector.shape_cast %add3A_185 : vector<16xi32> to vector<16xi32>
      tpu.vector_store %arg9[%swap3A], %swap3A_190 {strides = array<i32>} : memref<1024xi32, #tpu.memory_space<vmem>>, vector<16xi32>,
      %scan3A_191 = arith.constant 0 : i32
      scf.yield %scan3A_191 : i32
    }
    %scan3A_60 = arith.constant 64 : i32
    %dma_start3A_61 = arith.constant 0 : i32
    %dma_start3A_62 = tpu.memref_slice %arg3[%dma_start3A_61] : memref<640000xf32, #tpu.memory_space<hbm>> -> memref<640000xf32, #tpu.memory_space<hbm>>
    tpu.enqueue_indirect_dma source(%dma_start3A_62 : memref<640000xf32, #tpu.memory_space<hbm>>) target(%arg10 : memref<1024xf32, #tpu.memory_space<vmem>>) offsets(%arg9 : memref<1024xi32, #tpu.memory_space<vmem>>) semaphore(%arg11 : memref<!tpu.dma_semaphore, #tpu.memory_space<semaphore_mem>>)
    %dma_wait3A_63 = arith.constant 0 : i32
    %dma_wait3A_64 = tpu.memref_slice %arg3[%dma_wait3A_63] : memref<640000xf32, #tpu.memory_space<hbm>> -> memref<640000xf32, #tpu.memory_space<hbm>>
    tpu.wait_indirect_dma semaphore(%arg11 : memref<!tpu.dma_semaphore, #tpu.memory_space<semaphore_mem>>) src(%dma_wait3A_64 : memref<640000xf32, #tpu.memory_space<hbm>>) dst(%arg10 : memref<1024xf32, #tpu.memory_space<vmem>>)
    "tpu.region"() ({
      %run_scoped3A = tpu.sem_alloc : memref<!tpu.dma_semaphore, #tpu.memory_space<semaphore_mem>>
      %dma_start3A_178 = arith.constant 0 : i32
      %dma_start3A_179 = tpu.memref_slice %arg6[%add3A, %dma_start3A_178] : memref<56x1024xf32, #tpu.memory_space<hbm>> -> memref<1x1024xf32, #tpu.memory_space<hbm>>
      %dma_start3A_180 = tpu.memref_squeeze %dma_start3A_179 : memref<1x1024xf32, #tpu.memory_space<hbm>> -> memref<1024xf32, #tpu.memory_space<hbm>>
      %dma_start3A_181 = arith.constant 0 : i32
      %dma_start3A_182 = tpu.memref_slice %arg6[%add3A, %dma_start3A_181] : memref<56x1024xf32, #tpu.memory_space<hbm>> -> memref<1x1024xf32, #tpu.memory_space<hbm>>
      %dma_start3A_183 = tpu.memref_squeeze %dma_start3A_182 : memref<1x1024xf32, #tpu.memory_space<hbm>> -> memref<1024xf32, #tpu.memory_space<hbm>>
      tpu.enqueue_dma source(%arg10 : memref<1024xf32, #tpu.memory_space<vmem>>) target(%dma_start3A_183 : memref<1024xf32, #tpu.memory_space<hbm>>) target_semaphore(%run_scoped3A : memref<!tpu.dma_semaphore, #tpu.memory_space<semaphore_mem>>)
      %dma_wait3A_184 = arith.constant 0 : i32
      %dma_wait3A_185 = tpu.memref_slice %arg6[%add3A, %dma_wait3A_184] : memref<56x1024xf32, #tpu.memory_space<hbm>> -> memref<1x1024xf32, #tpu.memory_space<hbm>>
      %dma_wait3A_186 = tpu.memref_squeeze %dma_wait3A_185 : memref<1x1024xf32, #tpu.memory_space<hbm>> -> memref<1024xf32, #tpu.memory_space<hbm>>
      %dma_wait3A_187 = arith.constant 0 : i32
      %dma_wait3A_188 = tpu.memref_slice %arg6[%add3A, %dma_wait3A_187] : memref<56x1024xf32, #tpu.memory_space<hbm>> -> memref<1x1024xf32, #tpu.memory_space<hbm>>
      %dma_wait3A_189 = tpu.memref_squeeze %dma_wait3A_188 : memref<1x1024xf32, #tpu.memory_space<hbm>> -> memref<1024xf32, #tpu.memory_space<hbm>>
      tpu.wait_dma2 semaphore(%run_scoped3A : memref<!tpu.dma_semaphore, #tpu.memory_space<semaphore_mem>>) src(%arg10 : memref<1024xf32, #tpu.memory_space<vmem>>) dst(%dma_wait3A_189 : memref<1024xf32, #tpu.memory_space<hbm>>)
      tpu.yield
    }) : () -> ()
    %mul3A_65 = arith.constant 4 : i32
    %mul3A_66 = arith.muli %select_n3A, %mul3A_65 : i32
    %add3A_67 = arith.constant 3 : i32
    %add3A_68 = arith.addi %mul3A_66, %add3A_67 : i32
    %mul3A_69 = arith.constant 20000 : i32
    %mul3A_70 = arith.muli %add3A_68, %mul3A_69 : i32
    %scan3A_71 = arith.constant 0 : i32
    %scan3A_72 = arith.constant 0 : i32
    %scan3A_73 = arith.constant 64 : i32
    %scan3A_74 = arith.addi %scan3A_72, %scan3A_73 : i32
    %scan3A_75 = arith.constant 1 : i32
    %scan3A_76 = scf.for %scan3A_178 = %scan3A_72 to %scan3A_74 step %scan3A_75 iter_args(%scan3A_179 = %scan3A_71) -> (i32)  : i32 {
      %mul3A_180 = arith.constant 16 : i32
      %mul3A_181 = arith.muli %scan3A_178, %mul3A_180 : i32
      %get3A = arith.index_cast %mul3A_181 : i32 to index
      %get3A_182 = tpu.vector_load %arg8[%get3A] {strides = array<i32>} : memref<1024xi32, #tpu.memory_space<vmem>>, vector<16xi32>,
      %get3A_183 = vector.shape_cast %get3A_182 : vector<16xi32> to vector<16xi32>
      %add3A_184 = vector.broadcast %mul3A_70 : i32 to vector<16xi32>
      %add3A_185 = arith.addi %get3A_183, %add3A_184 : vector<16xi32>
      %mul3A_186 = arith.constant 16 : i32
      %mul3A_187 = arith.muli %scan3A_178, %mul3A_186 : i32
      %swap3A = arith.index_cast %mul3A_187 : i32 to index
      %swap3A_188 = tpu.vector_load %arg9[%swap3A] {strides = array<i32>} : memref<1024xi32, #tpu.memory_space<vmem>>, vector<16xi32>,
      %swap3A_189 = vector.shape_cast %swap3A_188 : vector<16xi32> to vector<16xi32>
      %swap3A_190 = vector.shape_cast %add3A_185 : vector<16xi32> to vector<16xi32>
      tpu.vector_store %arg9[%swap3A], %swap3A_190 {strides = array<i32>} : memref<1024xi32, #tpu.memory_space<vmem>>, vector<16xi32>,
      %scan3A_191 = arith.constant 0 : i32
      scf.yield %scan3A_191 : i32
    }
    %scan3A_77 = arith.constant 64 : i32
    %dma_start3A_78 = arith.constant 0 : i32
    %dma_start3A_79 = tpu.memref_slice %arg3[%dma_start3A_78] : memref<640000xf32, #tpu.memory_space<hbm>> -> memref<640000xf32, #tpu.memory_space<hbm>>
    tpu.enqueue_indirect_dma source(%dma_start3A_79 : memref<640000xf32, #tpu.memory_space<hbm>>) target(%arg10 : memref<1024xf32, #tpu.memory_space<vmem>>) offsets(%arg9 : memref<1024xi32, #tpu.memory_space<vmem>>) semaphore(%arg11 : memref<!tpu.dma_semaphore, #tpu.memory_space<semaphore_mem>>)
    %dma_wait3A_80 = arith.constant 0 : i32
    %dma_wait3A_81 = tpu.memref_slice %arg3[%dma_wait3A_80] : memref<640000xf32, #tpu.memory_space<hbm>> -> memref<640000xf32, #tpu.memory_space<hbm>>
    tpu.wait_indirect_dma semaphore(%arg11 : memref<!tpu.dma_semaphore, #tpu.memory_space<semaphore_mem>>) src(%dma_wait3A_81 : memref<640000xf32, #tpu.memory_space<hbm>>) dst(%arg10 : memref<1024xf32, #tpu.memory_space<vmem>>)
    "tpu.region"() ({
      %run_scoped3A = tpu.sem_alloc : memref<!tpu.dma_semaphore, #tpu.memory_space<semaphore_mem>>
      %dma_start3A_178 = arith.constant 0 : i32
      %dma_start3A_179 = tpu.memref_slice %arg7[%add3A, %dma_start3A_178] : memref<56x1024xf32, #tpu.memory_space<hbm>> -> memref<1x1024xf32, #tpu.memory_space<hbm>>
      %dma_start3A_180 = tpu.memref_squeeze %dma_start3A_179 : memref<1x1024xf32, #tpu.memory_space<hbm>> -> memref<1024xf32, #tpu.memory_space<hbm>>
      %dma_start3A_181 = arith.constant 0 : i32
      %dma_start3A_182 = tpu.memref_slice %arg7[%add3A, %dma_start3A_181] : memref<56x1024xf32, #tpu.memory_space<hbm>> -> memref<1x1024xf32, #tpu.memory_space<hbm>>
      %dma_start3A_183 = tpu.memref_squeeze %dma_start3A_182 : memref<1x1024xf32, #tpu.memory_space<hbm>> -> memref<1024xf32, #tpu.memory_space<hbm>>
      tpu.enqueue_dma source(%arg10 : memref<1024xf32, #tpu.memory_space<vmem>>) target(%dma_start3A_183 : memref<1024xf32, #tpu.memory_space<hbm>>) target_semaphore(%run_scoped3A : memref<!tpu.dma_semaphore, #tpu.memory_space<semaphore_mem>>)
      %dma_wait3A_184 = arith.constant 0 : i32
      %dma_wait3A_185 = tpu.memref_slice %arg7[%add3A, %dma_wait3A_184] : memref<56x1024xf32, #tpu.memory_space<hbm>> -> memref<1x1024xf32, #tpu.memory_space<hbm>>
      %dma_wait3A_186 = tpu.memref_squeeze %dma_wait3A_185 : memref<1x1024xf32, #tpu.memory_space<hbm>> -> memref<1024xf32, #tpu.memory_space<hbm>>
      %dma_wait3A_187 = arith.constant 0 : i32
      %dma_wait3A_188 = tpu.memref_slice %arg7[%add3A, %dma_wait3A_187] : memref<56x1024xf32, #tpu.memory_space<hbm>> -> memref<1x1024xf32, #tpu.memory_space<hbm>>
      %dma_wait3A_189 = tpu.memref_squeeze %dma_wait3A_188 : memref<1x1024xf32, #tpu.memory_space<hbm>> -> memref<1024xf32, #tpu.memory_space<hbm>>
      tpu.wait_dma2 semaphore(%run_scoped3A : memref<!tpu.dma_semaphore, #tpu.memory_space<semaphore_mem>>) src(%arg10 : memref<1024xf32, #tpu.memory_space<vmem>>) dst(%dma_wait3A_189 : memref<1024xf32, #tpu.memory_space<hbm>>)
      tpu.yield
    }) : () -> ()
    %lt3A = arith.constant 24 : i32
    %lt3A_82 = arith.cmpi slt, %add3A, %lt3A : i32
    %add3A_83 = arith.constant 32 : i32
    %add3A_84 = arith.addi %add3A, %add3A_83 : i32
    %select_n3A_85 = arith.select %lt3A_82, %add3A_84, %add3A : i32
    %jit3A_86 = arith.constant 7 : i32
    %div3A_87 = arith.divsi %select_n3A_85, %jit3A_86 : i32
    %sign3A_88 = arith.constant 0 : i32
    %sign3A_89 = arith.cmpi sgt, %select_n3A_85, %sign3A_88 : i32
    %sign3A_90 = arith.extui %sign3A_89 : i1 to i32
    %sign3A_91 = arith.constant 0 : i32
    %sign3A_92 = arith.cmpi slt, %select_n3A_85, %sign3A_91 : i32
    %sign3A_93 = arith.extui %sign3A_92 : i1 to i32
    %sign3A_94 = arith.subi %sign3A_90, %sign3A_93 : i32
    %sign3A_95 = arith.constant 0 : i32
    %sign3A_96 = arith.cmpi sgt, %jit3A_86, %sign3A_95 : i32
    %sign3A_97 = arith.extui %sign3A_96 : i1 to i32
    %sign3A_98 = arith.constant 0 : i32
    %sign3A_99 = arith.cmpi slt, %jit3A_86, %sign3A_98 : i32
    %sign3A_100 = arith.extui %sign3A_99 : i1 to i32
    %sign3A_101 = arith.subi %sign3A_97, %sign3A_100 : i32
    %ne3A_102 = arith.cmpi ne, %sign3A_94, %sign3A_101 : i32
    %rem3A_103 = arith.remsi %select_n3A_85, %jit3A_86 : i32
    %ne3A_104 = arith.constant 0 : i32
    %ne3A_105 = arith.cmpi ne, %rem3A_103, %ne3A_104 : i32
    %and3A_106 = arith.andi %ne3A_102, %ne3A_105 : i1
    %sub3A_107 = arith.constant 1 : i32
    %sub3A_108 = arith.subi %div3A_87, %sub3A_107 : i32
    %select_n3A_109 = arith.select %and3A_106, %sub3A_108, %div3A_87 : i32
    "tpu.region"() ({
      %run_scoped3A = tpu.sem_alloc : memref<!tpu.dma_semaphore, #tpu.memory_space<semaphore_mem>>
      %dma_start3A_178 = arith.constant 0 : i32
      %dma_start3A_179 = tpu.memref_slice %arg2[%select_n3A_85, %dma_start3A_178] : memref<56x1024xi32, #tpu.memory_space<hbm>> -> memref<1x1024xi32, #tpu.memory_space<hbm>>
      %dma_start3A_180 = tpu.memref_squeeze %dma_start3A_179 : memref<1x1024xi32, #tpu.memory_space<hbm>> -> memref<1024xi32, #tpu.memory_space<hbm>>
      %dma_start3A_181 = arith.constant 0 : i32
      %dma_start3A_182 = tpu.memref_slice %arg2[%select_n3A_85, %dma_start3A_181] : memref<56x1024xi32, #tpu.memory_space<hbm>> -> memref<1x1024xi32, #tpu.memory_space<hbm>>
      %dma_start3A_183 = tpu.memref_squeeze %dma_start3A_182 : memref<1x1024xi32, #tpu.memory_space<hbm>> -> memref<1024xi32, #tpu.memory_space<hbm>>
      tpu.enqueue_dma source(%dma_start3A_183 : memref<1024xi32, #tpu.memory_space<hbm>>) target(%arg8 : memref<1024xi32, #tpu.memory_space<vmem>>) target_semaphore(%run_scoped3A : memref<!tpu.dma_semaphore, #tpu.memory_space<semaphore_mem>>)
      %dma_wait3A_184 = arith.constant 0 : i32
      %dma_wait3A_185 = tpu.memref_slice %arg2[%select_n3A_85, %dma_wait3A_184] : memref<56x1024xi32, #tpu.memory_space<hbm>> -> memref<1x1024xi32, #tpu.memory_space<hbm>>
      %dma_wait3A_186 = tpu.memref_squeeze %dma_wait3A_185 : memref<1x1024xi32, #tpu.memory_space<hbm>> -> memref<1024xi32, #tpu.memory_space<hbm>>
      %dma_wait3A_187 = arith.constant 0 : i32
      %dma_wait3A_188 = tpu.memref_slice %arg2[%select_n3A_85, %dma_wait3A_187] : memref<56x1024xi32, #tpu.memory_space<hbm>> -> memref<1x1024xi32, #tpu.memory_space<hbm>>
      %dma_wait3A_189 = tpu.memref_squeeze %dma_wait3A_188 : memref<1x1024xi32, #tpu.memory_space<hbm>> -> memref<1024xi32, #tpu.memory_space<hbm>>
      tpu.wait_dma2 semaphore(%run_scoped3A : memref<!tpu.dma_semaphore, #tpu.memory_space<semaphore_mem>>) src(%dma_wait3A_189 : memref<1024xi32, #tpu.memory_space<hbm>>) dst(%arg8 : memref<1024xi32, #tpu.memory_space<vmem>>)
      tpu.yield
    }) : () -> ()
    %mul3A_110 = arith.constant 4 : i32
    %mul3A_111 = arith.muli %select_n3A_109, %mul3A_110 : i32
    %add3A_112 = arith.constant 0 : i32
    %add3A_113 = arith.addi %mul3A_111, %add3A_112 : i32
    %mul3A_114 = arith.constant 20000 : i32
    %mul3A_115 = arith.muli %add3A_113, %mul3A_114 : i32
    %scan3A_116 = arith.constant 0 : i32
    %scan3A_117 = arith.constant 0 : i32
    %scan3A_118 = arith.constant 64 : i32
    %scan3A_119 = arith.addi %scan3A_117, %scan3A_118 : i32
    %scan3A_120 = arith.constant 1 : i32
    %scan3A_121 = scf.for %scan3A_178 = %scan3A_117 to %scan3A_119 step %scan3A_120 iter_args(%scan3A_179 = %scan3A_116) -> (i32)  : i32 {
      %mul3A_180 = arith.constant 16 : i32
      %mul3A_181 = arith.muli %scan3A_178, %mul3A_180 : i32
      %get3A = arith.index_cast %mul3A_181 : i32 to index
      %get3A_182 = tpu.vector_load %arg8[%get3A] {strides = array<i32>} : memref<1024xi32, #tpu.memory_space<vmem>>, vector<16xi32>,
      %get3A_183 = vector.shape_cast %get3A_182 : vector<16xi32> to vector<16xi32>
      %add3A_184 = vector.broadcast %mul3A_115 : i32 to vector<16xi32>
      %add3A_185 = arith.addi %get3A_183, %add3A_184 : vector<16xi32>
      %mul3A_186 = arith.constant 16 : i32
      %mul3A_187 = arith.muli %scan3A_178, %mul3A_186 : i32
      %swap3A = arith.index_cast %mul3A_187 : i32 to index
      %swap3A_188 = tpu.vector_load %arg9[%swap3A] {strides = array<i32>} : memref<1024xi32, #tpu.memory_space<vmem>>, vector<16xi32>,
      %swap3A_189 = vector.shape_cast %swap3A_188 : vector<16xi32> to vector<16xi32>
      %swap3A_190 = vector.shape_cast %add3A_185 : vector<16xi32> to vector<16xi32>
      tpu.vector_store %arg9[%swap3A], %swap3A_190 {strides = array<i32>} : memref<1024xi32, #tpu.memory_space<vmem>>, vector<16xi32>,
      %scan3A_191 = arith.constant 0 : i32
      scf.yield %scan3A_191 : i32
    }
    %scan3A_122 = arith.constant 64 : i32
    %dma_start3A_123 = arith.constant 0 : i32
    %dma_start3A_124 = tpu.memref_slice %arg3[%dma_start3A_123] : memref<640000xf32, #tpu.memory_space<hbm>> -> memref<640000xf32, #tpu.memory_space<hbm>>
    tpu.enqueue_indirect_dma source(%dma_start3A_124 : memref<640000xf32, #tpu.memory_space<hbm>>) target(%arg10 : memref<1024xf32, #tpu.memory_space<vmem>>) offsets(%arg9 : memref<1024xi32, #tpu.memory_space<vmem>>) semaphore(%arg11 : memref<!tpu.dma_semaphore, #tpu.memory_space<semaphore_mem>>)
    %dma_wait3A_125 = arith.constant 0 : i32
    %dma_wait3A_126 = tpu.memref_slice %arg3[%dma_wait3A_125] : memref<640000xf32, #tpu.memory_space<hbm>> -> memref<640000xf32, #tpu.memory_space<hbm>>
    tpu.wait_indirect_dma semaphore(%arg11 : memref<!tpu.dma_semaphore, #tpu.memory_space<semaphore_mem>>) src(%dma_wait3A_126 : memref<640000xf32, #tpu.memory_space<hbm>>) dst(%arg10 : memref<1024xf32, #tpu.memory_space<vmem>>)
    "tpu.region"() ({
      %run_scoped3A = tpu.sem_alloc : memref<!tpu.dma_semaphore, #tpu.memory_space<semaphore_mem>>
      %dma_start3A_178 = arith.constant 0 : i32
      %dma_start3A_179 = tpu.memref_slice %arg4[%select_n3A_85, %dma_start3A_178] : memref<56x1024xf32, #tpu.memory_space<hbm>> -> memref<1x1024xf32, #tpu.memory_space<hbm>>
      %dma_start3A_180 = tpu.memref_squeeze %dma_start3A_179 : memref<1x1024xf32, #tpu.memory_space<hbm>> -> memref<1024xf32, #tpu.memory_space<hbm>>
      %dma_start3A_181 = arith.constant 0 : i32
      %dma_start3A_182 = tpu.memref_slice %arg4[%select_n3A_85, %dma_start3A_181] : memref<56x1024xf32, #tpu.memory_space<hbm>> -> memref<1x1024xf32, #tpu.memory_space<hbm>>
      %dma_start3A_183 = tpu.memref_squeeze %dma_start3A_182 : memref<1x1024xf32, #tpu.memory_space<hbm>> -> memref<1024xf32, #tpu.memory_space<hbm>>
      tpu.enqueue_dma source(%arg10 : memref<1024xf32, #tpu.memory_space<vmem>>) target(%dma_start3A_183 : memref<1024xf32, #tpu.memory_space<hbm>>) target_semaphore(%run_scoped3A : memref<!tpu.dma_semaphore, #tpu.memory_space<semaphore_mem>>)
      %dma_wait3A_184 = arith.constant 0 : i32
      %dma_wait3A_185 = tpu.memref_slice %arg4[%select_n3A_85, %dma_wait3A_184] : memref<56x1024xf32, #tpu.memory_space<hbm>> -> memref<1x1024xf32, #tpu.memory_space<hbm>>
      %dma_wait3A_186 = tpu.memref_squeeze %dma_wait3A_185 : memref<1x1024xf32, #tpu.memory_space<hbm>> -> memref<1024xf32, #tpu.memory_space<hbm>>
      %dma_wait3A_187 = arith.constant 0 : i32
      %dma_wait3A_188 = tpu.memref_slice %arg4[%select_n3A_85, %dma_wait3A_187] : memref<56x1024xf32, #tpu.memory_space<hbm>> -> memref<1x1024xf32, #tpu.memory_space<hbm>>
      %dma_wait3A_189 = tpu.memref_squeeze %dma_wait3A_188 : memref<1x1024xf32, #tpu.memory_space<hbm>> -> memref<1024xf32, #tpu.memory_space<hbm>>
      tpu.wait_dma2 semaphore(%run_scoped3A : memref<!tpu.dma_semaphore, #tpu.memory_space<semaphore_mem>>) src(%arg10 : memref<1024xf32, #tpu.memory_space<vmem>>) dst(%dma_wait3A_189 : memref<1024xf32, #tpu.memory_space<hbm>>)
      tpu.yield
    }) : () -> ()
    %mul3A_127 = arith.constant 4 : i32
    %mul3A_128 = arith.muli %select_n3A_109, %mul3A_127 : i32
    %add3A_129 = arith.constant 1 : i32
    %add3A_130 = arith.addi %mul3A_128, %add3A_129 : i32
    %mul3A_131 = arith.constant 20000 : i32
    %mul3A_132 = arith.muli %add3A_130, %mul3A_131 : i32
    %scan3A_133 = arith.constant 0 : i32
    %scan3A_134 = arith.constant 0 : i32
    %scan3A_135 = arith.constant 64 : i32
    %scan3A_136 = arith.addi %scan3A_134, %scan3A_135 : i32
    %scan3A_137 = arith.constant 1 : i32
    %scan3A_138 = scf.for %scan3A_178 = %scan3A_134 to %scan3A_136 step %scan3A_137 iter_args(%scan3A_179 = %scan3A_133) -> (i32)  : i32 {
      %mul3A_180 = arith.constant 16 : i32
      %mul3A_181 = arith.muli %scan3A_178, %mul3A_180 : i32
      %get3A = arith.index_cast %mul3A_181 : i32 to index
      %get3A_182 = tpu.vector_load %arg8[%get3A] {strides = array<i32>} : memref<1024xi32, #tpu.memory_space<vmem>>, vector<16xi32>,
      %get3A_183 = vector.shape_cast %get3A_182 : vector<16xi32> to vector<16xi32>
      %add3A_184 = vector.broadcast %mul3A_132 : i32 to vector<16xi32>
      %add3A_185 = arith.addi %get3A_183, %add3A_184 : vector<16xi32>
      %mul3A_186 = arith.constant 16 : i32
      %mul3A_187 = arith.muli %scan3A_178, %mul3A_186 : i32
      %swap3A = arith.index_cast %mul3A_187 : i32 to index
      %swap3A_188 = tpu.vector_load %arg9[%swap3A] {strides = array<i32>} : memref<1024xi32, #tpu.memory_space<vmem>>, vector<16xi32>,
      %swap3A_189 = vector.shape_cast %swap3A_188 : vector<16xi32> to vector<16xi32>
      %swap3A_190 = vector.shape_cast %add3A_185 : vector<16xi32> to vector<16xi32>
      tpu.vector_store %arg9[%swap3A], %swap3A_190 {strides = array<i32>} : memref<1024xi32, #tpu.memory_space<vmem>>, vector<16xi32>,
      %scan3A_191 = arith.constant 0 : i32
      scf.yield %scan3A_191 : i32
    }
    %scan3A_139 = arith.constant 64 : i32
    %dma_start3A_140 = arith.constant 0 : i32
    %dma_start3A_141 = tpu.memref_slice %arg3[%dma_start3A_140] : memref<640000xf32, #tpu.memory_space<hbm>> -> memref<640000xf32, #tpu.memory_space<hbm>>
    tpu.enqueue_indirect_dma source(%dma_start3A_141 : memref<640000xf32, #tpu.memory_space<hbm>>) target(%arg10 : memref<1024xf32, #tpu.memory_space<vmem>>) offsets(%arg9 : memref<1024xi32, #tpu.memory_space<vmem>>) semaphore(%arg11 : memref<!tpu.dma_semaphore, #tpu.memory_space<semaphore_mem>>)
    %dma_wait3A_142 = arith.constant 0 : i32
    %dma_wait3A_143 = tpu.memref_slice %arg3[%dma_wait3A_142] : memref<640000xf32, #tpu.memory_space<hbm>> -> memref<640000xf32, #tpu.memory_space<hbm>>
    tpu.wait_indirect_dma semaphore(%arg11 : memref<!tpu.dma_semaphore, #tpu.memory_space<semaphore_mem>>) src(%dma_wait3A_143 : memref<640000xf32, #tpu.memory_space<hbm>>) dst(%arg10 : memref<1024xf32, #tpu.memory_space<vmem>>)
    "tpu.region"() ({
      %run_scoped3A = tpu.sem_alloc : memref<!tpu.dma_semaphore, #tpu.memory_space<semaphore_mem>>
      %dma_start3A_178 = arith.constant 0 : i32
      %dma_start3A_179 = tpu.memref_slice %arg5[%select_n3A_85, %dma_start3A_178] : memref<56x1024xf32, #tpu.memory_space<hbm>> -> memref<1x1024xf32, #tpu.memory_space<hbm>>
      %dma_start3A_180 = tpu.memref_squeeze %dma_start3A_179 : memref<1x1024xf32, #tpu.memory_space<hbm>> -> memref<1024xf32, #tpu.memory_space<hbm>>
      %dma_start3A_181 = arith.constant 0 : i32
      %dma_start3A_182 = tpu.memref_slice %arg5[%select_n3A_85, %dma_start3A_181] : memref<56x1024xf32, #tpu.memory_space<hbm>> -> memref<1x1024xf32, #tpu.memory_space<hbm>>
      %dma_start3A_183 = tpu.memref_squeeze %dma_start3A_182 : memref<1x1024xf32, #tpu.memory_space<hbm>> -> memref<1024xf32, #tpu.memory_space<hbm>>
      tpu.enqueue_dma source(%arg10 : memref<1024xf32, #tpu.memory_space<vmem>>) target(%dma_start3A_183 : memref<1024xf32, #tpu.memory_space<hbm>>) target_semaphore(%run_scoped3A : memref<!tpu.dma_semaphore, #tpu.memory_space<semaphore_mem>>)
      %dma_wait3A_184 = arith.constant 0 : i32
      %dma_wait3A_185 = tpu.memref_slice %arg5[%select_n3A_85, %dma_wait3A_184] : memref<56x1024xf32, #tpu.memory_space<hbm>> -> memref<1x1024xf32, #tpu.memory_space<hbm>>
      %dma_wait3A_186 = tpu.memref_squeeze %dma_wait3A_185 : memref<1x1024xf32, #tpu.memory_space<hbm>> -> memref<1024xf32, #tpu.memory_space<hbm>>
      %dma_wait3A_187 = arith.constant 0 : i32
      %dma_wait3A_188 = tpu.memref_slice %arg5[%select_n3A_85, %dma_wait3A_187] : memref<56x1024xf32, #tpu.memory_space<hbm>> -> memref<1x1024xf32, #tpu.memory_space<hbm>>
      %dma_wait3A_189 = tpu.memref_squeeze %dma_wait3A_188 : memref<1x1024xf32, #tpu.memory_space<hbm>> -> memref<1024xf32, #tpu.memory_space<hbm>>
      tpu.wait_dma2 semaphore(%run_scoped3A : memref<!tpu.dma_semaphore, #tpu.memory_space<semaphore_mem>>) src(%arg10 : memref<1024xf32, #tpu.memory_space<vmem>>) dst(%dma_wait3A_189 : memref<1024xf32, #tpu.memory_space<hbm>>)
      tpu.yield
    }) : () -> ()
    %mul3A_144 = arith.constant 4 : i32
    %mul3A_145 = arith.muli %select_n3A_109, %mul3A_144 : i32
    %add3A_146 = arith.constant 2 : i32
    %add3A_147 = arith.addi %mul3A_145, %add3A_146 : i32
    %mul3A_148 = arith.constant 20000 : i32
    %mul3A_149 = arith.muli %add3A_147, %mul3A_148 : i32
    %scan3A_150 = arith.constant 0 : i32
    %scan3A_151 = arith.constant 0 : i32
    %scan3A_152 = arith.constant 64 : i32
    %scan3A_153 = arith.addi %scan3A_151, %scan3A_152 : i32
    %scan3A_154 = arith.constant 1 : i32
    %scan3A_155 = scf.for %scan3A_178 = %scan3A_151 to %scan3A_153 step %scan3A_154 iter_args(%scan3A_179 = %scan3A_150) -> (i32)  : i32 {
      %mul3A_180 = arith.constant 16 : i32
      %mul3A_181 = arith.muli %scan3A_178, %mul3A_180 : i32
      %get3A = arith.index_cast %mul3A_181 : i32 to index
      %get3A_182 = tpu.vector_load %arg8[%get3A] {strides = array<i32>} : memref<1024xi32, #tpu.memory_space<vmem>>, vector<16xi32>,
      %get3A_183 = vector.shape_cast %get3A_182 : vector<16xi32> to vector<16xi32>
      %add3A_184 = vector.broadcast %mul3A_149 : i32 to vector<16xi32>
      %add3A_185 = arith.addi %get3A_183, %add3A_184 : vector<16xi32>
      %mul3A_186 = arith.constant 16 : i32
      %mul3A_187 = arith.muli %scan3A_178, %mul3A_186 : i32
      %swap3A = arith.index_cast %mul3A_187 : i32 to index
      %swap3A_188 = tpu.vector_load %arg9[%swap3A] {strides = array<i32>} : memref<1024xi32, #tpu.memory_space<vmem>>, vector<16xi32>,
      %swap3A_189 = vector.shape_cast %swap3A_188 : vector<16xi32> to vector<16xi32>
      %swap3A_190 = vector.shape_cast %add3A_185 : vector<16xi32> to vector<16xi32>
      tpu.vector_store %arg9[%swap3A], %swap3A_190 {strides = array<i32>} : memref<1024xi32, #tpu.memory_space<vmem>>, vector<16xi32>,
      %scan3A_191 = arith.constant 0 : i32
      scf.yield %scan3A_191 : i32
    }
    %scan3A_156 = arith.constant 64 : i32
    %dma_start3A_157 = arith.constant 0 : i32
    %dma_start3A_158 = tpu.memref_slice %arg3[%dma_start3A_157] : memref<640000xf32, #tpu.memory_space<hbm>> -> memref<640000xf32, #tpu.memory_space<hbm>>
    tpu.enqueue_indirect_dma source(%dma_start3A_158 : memref<640000xf32, #tpu.memory_space<hbm>>) target(%arg10 : memref<1024xf32, #tpu.memory_space<vmem>>) offsets(%arg9 : memref<1024xi32, #tpu.memory_space<vmem>>) semaphore(%arg11 : memref<!tpu.dma_semaphore, #tpu.memory_space<semaphore_mem>>)
    %dma_wait3A_159 = arith.constant 0 : i32
    %dma_wait3A_160 = tpu.memref_slice %arg3[%dma_wait3A_159] : memref<640000xf32, #tpu.memory_space<hbm>> -> memref<640000xf32, #tpu.memory_space<hbm>>
    tpu.wait_indirect_dma semaphore(%arg11 : memref<!tpu.dma_semaphore, #tpu.memory_space<semaphore_mem>>) src(%dma_wait3A_160 : memref<640000xf32, #tpu.memory_space<hbm>>) dst(%arg10 : memref<1024xf32, #tpu.memory_space<vmem>>)
    "tpu.region"() ({
      %run_scoped3A = tpu.sem_alloc : memref<!tpu.dma_semaphore, #tpu.memory_space<semaphore_mem>>
      %dma_start3A_178 = arith.constant 0 : i32
      %dma_start3A_179 = tpu.memref_slice %arg6[%select_n3A_85, %dma_start3A_178] : memref<56x1024xf32, #tpu.memory_space<hbm>> -> memref<1x1024xf32, #tpu.memory_space<hbm>>
      %dma_start3A_180 = tpu.memref_squeeze %dma_start3A_179 : memref<1x1024xf32, #tpu.memory_space<hbm>> -> memref<1024xf32, #tpu.memory_space<hbm>>
      %dma_start3A_181 = arith.constant 0 : i32
      %dma_start3A_182 = tpu.memref_slice %arg6[%select_n3A_85, %dma_start3A_181] : memref<56x1024xf32, #tpu.memory_space<hbm>> -> memref<1x1024xf32, #tpu.memory_space<hbm>>
      %dma_start3A_183 = tpu.memref_squeeze %dma_start3A_182 : memref<1x1024xf32, #tpu.memory_space<hbm>> -> memref<1024xf32, #tpu.memory_space<hbm>>
      tpu.enqueue_dma source(%arg10 : memref<1024xf32, #tpu.memory_space<vmem>>) target(%dma_start3A_183 : memref<1024xf32, #tpu.memory_space<hbm>>) target_semaphore(%run_scoped3A : memref<!tpu.dma_semaphore, #tpu.memory_space<semaphore_mem>>)
      %dma_wait3A_184 = arith.constant 0 : i32
      %dma_wait3A_185 = tpu.memref_slice %arg6[%select_n3A_85, %dma_wait3A_184] : memref<56x1024xf32, #tpu.memory_space<hbm>> -> memref<1x1024xf32, #tpu.memory_space<hbm>>
      %dma_wait3A_186 = tpu.memref_squeeze %dma_wait3A_185 : memref<1x1024xf32, #tpu.memory_space<hbm>> -> memref<1024xf32, #tpu.memory_space<hbm>>
      %dma_wait3A_187 = arith.constant 0 : i32
      %dma_wait3A_188 = tpu.memref_slice %arg6[%select_n3A_85, %dma_wait3A_187] : memref<56x1024xf32, #tpu.memory_space<hbm>> -> memref<1x1024xf32, #tpu.memory_space<hbm>>
      %dma_wait3A_189 = tpu.memref_squeeze %dma_wait3A_188 : memref<1x1024xf32, #tpu.memory_space<hbm>> -> memref<1024xf32, #tpu.memory_space<hbm>>
      tpu.wait_dma2 semaphore(%run_scoped3A : memref<!tpu.dma_semaphore, #tpu.memory_space<semaphore_mem>>) src(%arg10 : memref<1024xf32, #tpu.memory_space<vmem>>) dst(%dma_wait3A_189 : memref<1024xf32, #tpu.memory_space<hbm>>)
      tpu.yield
    }) : () -> ()
    %mul3A_161 = arith.constant 4 : i32
    %mul3A_162 = arith.muli %select_n3A_109, %mul3A_161 : i32
    %add3A_163 = arith.constant 3 : i32
    %add3A_164 = arith.addi %mul3A_162, %add3A_163 : i32
    %mul3A_165 = arith.constant 20000 : i32
    %mul3A_166 = arith.muli %add3A_164, %mul3A_165 : i32
    %scan3A_167 = arith.constant 0 : i32
    %scan3A_168 = arith.constant 0 : i32
    %scan3A_169 = arith.constant 64 : i32
    %scan3A_170 = arith.addi %scan3A_168, %scan3A_169 : i32
    %scan3A_171 = arith.constant 1 : i32
    %scan3A_172 = scf.for %scan3A_178 = %scan3A_168 to %scan3A_170 step %scan3A_171 iter_args(%scan3A_179 = %scan3A_167) -> (i32)  : i32 {
      %mul3A_180 = arith.constant 16 : i32
      %mul3A_181 = arith.muli %scan3A_178, %mul3A_180 : i32
      %get3A = arith.index_cast %mul3A_181 : i32 to index
      %get3A_182 = tpu.vector_load %arg8[%get3A] {strides = array<i32>} : memref<1024xi32, #tpu.memory_space<vmem>>, vector<16xi32>,
      %get3A_183 = vector.shape_cast %get3A_182 : vector<16xi32> to vector<16xi32>
      %add3A_184 = vector.broadcast %mul3A_166 : i32 to vector<16xi32>
      %add3A_185 = arith.addi %get3A_183, %add3A_184 : vector<16xi32>
      %mul3A_186 = arith.constant 16 : i32
      %mul3A_187 = arith.muli %scan3A_178, %mul3A_186 : i32
      %swap3A = arith.index_cast %mul3A_187 : i32 to index
      %swap3A_188 = tpu.vector_load %arg9[%swap3A] {strides = array<i32>} : memref<1024xi32, #tpu.memory_space<vmem>>, vector<16xi32>,
      %swap3A_189 = vector.shape_cast %swap3A_188 : vector<16xi32> to vector<16xi32>
      %swap3A_190 = vector.shape_cast %add3A_185 : vector<16xi32> to vector<16xi32>
      tpu.vector_store %arg9[%swap3A], %swap3A_190 {strides = array<i32>} : memref<1024xi32, #tpu.memory_space<vmem>>, vector<16xi32>,
      %scan3A_191 = arith.constant 0 : i32
      scf.yield %scan3A_191 : i32
    }
    %scan3A_173 = arith.constant 64 : i32
    %dma_start3A_174 = arith.constant 0 : i32
    %dma_start3A_175 = tpu.memref_slice %arg3[%dma_start3A_174] : memref<640000xf32, #tpu.memory_space<hbm>> -> memref<640000xf32, #tpu.memory_space<hbm>>
    tpu.enqueue_indirect_dma source(%dma_start3A_175 : memref<640000xf32, #tpu.memory_space<hbm>>) target(%arg10 : memref<1024xf32, #tpu.memory_space<vmem>>) offsets(%arg9 : memref<1024xi32, #tpu.memory_space<vmem>>) semaphore(%arg11 : memref<!tpu.dma_semaphore, #tpu.memory_space<semaphore_mem>>)
    %dma_wait3A_176 = arith.constant 0 : i32
    %dma_wait3A_177 = tpu.memref_slice %arg3[%dma_wait3A_176] : memref<640000xf32, #tpu.memory_space<hbm>> -> memref<640000xf32, #tpu.memory_space<hbm>>
    tpu.wait_indirect_dma semaphore(%arg11 : memref<!tpu.dma_semaphore, #tpu.memory_space<semaphore_mem>>) src(%dma_wait3A_177 : memref<640000xf32, #tpu.memory_space<hbm>>) dst(%arg10 : memref<1024xf32, #tpu.memory_space<vmem>>)
    "tpu.region"() ({
      %run_scoped3A = tpu.sem_alloc : memref<!tpu.dma_semaphore, #tpu.memory_space<semaphore_mem>>
      %dma_start3A_178 = arith.constant 0 : i32
      %dma_start3A_179 = tpu.memref_slice %arg7[%select_n3A_85, %dma_start3A_178] : memref<56x1024xf32, #tpu.memory_space<hbm>> -> memref<1x1024xf32, #tpu.memory_space<hbm>>
      %dma_start3A_180 = tpu.memref_squeeze %dma_start3A_179 : memref<1x1024xf32, #tpu.memory_space<hbm>> -> memref<1024xf32, #tpu.memory_space<hbm>>
      %dma_start3A_181 = arith.constant 0 : i32
      %dma_start3A_182 = tpu.memref_slice %arg7[%select_n3A_85, %dma_start3A_181] : memref<56x1024xf32, #tpu.memory_space<hbm>> -> memref<1x1024xf32, #tpu.memory_space<hbm>>
      %dma_start3A_183 = tpu.memref_squeeze %dma_start3A_182 : memref<1x1024xf32, #tpu.memory_space<hbm>> -> memref<1024xf32, #tpu.memory_space<hbm>>
      tpu.enqueue_dma source(%arg10 : memref<1024xf32, #tpu.memory_space<vmem>>) target(%dma_start3A_183 : memref<1024xf32, #tpu.memory_space<hbm>>) target_semaphore(%run_scoped3A : memref<!tpu.dma_semaphore, #tpu.memory_space<semaphore_mem>>)
      %dma_wait3A_184 = arith.constant 0 : i32
      %dma_wait3A_185 = tpu.memref_slice %arg7[%select_n3A_85, %dma_wait3A_184] : memref<56x1024xf32, #tpu.memory_space<hbm>> -> memref<1x1024xf32, #tpu.memory_space<hbm>>
      %dma_wait3A_186 = tpu.memref_squeeze %dma_wait3A_185 : memref<1x1024xf32, #tpu.memory_space<hbm>> -> memref<1024xf32, #tpu.memory_space<hbm>>
      %dma_wait3A_187 = arith.constant 0 : i32
      %dma_wait3A_188 = tpu.memref_slice %arg7[%select_n3A_85, %dma_wait3A_187] : memref<56x1024xf32, #tpu.memory_space<hbm>> -> memref<1x1024xf32, #tpu.memory_space<hbm>>
      %dma_wait3A_189 = tpu.memref_squeeze %dma_wait3A_188 : memref<1x1024xf32, #tpu.memory_space<hbm>> -> memref<1024xf32, #tpu.memory_space<hbm>>
      tpu.wait_dma2 semaphore(%run_scoped3A : memref<!tpu.dma_semaphore, #tpu.memory_space<semaphore_mem>>) src(%arg10 : memref<1024xf32, #tpu.memory_space<vmem>>) dst(%dma_wait3A_189 : memref<1024xf32, #tpu.memory_space<hbm>>)
      tpu.yield
    }) : () -> ()
    return
  }
}

module attributes {stable_mosaic.version = 14 : i64} {
  func.func @_decode_kernel(%arg0: i32, %arg1: memref<1x4x20000xf32, #tpu.memory_space<vmem>>, %arg2: memref<1x8x20000xf32, #tpu.memory_space<vmem>>, %arg3: memref<1x4x20000xf32, #tpu.memory_space<vmem>>, %arg4: memref<8x2xf32, #tpu.memory_space<vmem>>, %arg5: memref<1x4x20000xf32, #tpu.memory_space<vmem>>, %arg6: memref<1x8x20000xf32, #tpu.memory_space<vmem>>) attributes {dimension_semantics = [#tpu.dimension_semantics<arbitrary>], iteration_bounds = array<i64: 8>, scalar_prefetch = 0 : i64, scratch_operands = 0 : i64, tpu.core_type = #tpu.core_type<tc>, window_params = [{transform_indices = @transform_0, window_bounds = array<i64: 1, 4, 20000>}, {transform_indices = @transform_1, window_bounds = array<i64: 1, 8, 20000>}, {transform_indices = @transform_2, window_bounds = array<i64: 1, 4, 20000>}, {pipeline_mode = #tpu.pipeline_mode<synchronous>, transform_indices = @transform_3, window_bounds = array<i64: 8, 2>}, {transform_indices = @transform_4, window_bounds = array<i64: 1, 4, 20000>}, {transform_indices = @transform_5, window_bounds = array<i64: 1, 8, 20000>}]} {
    %get3A = arith.constant 0 : index
    %get3A_0 = arith.constant 0 : index
    %get3A_1 = arith.constant 0 : index
    %get3A_2 = vector.load %arg1[%get3A, %get3A_0, %get3A_1] : memref<1x4x20000xf32, #tpu.memory_space<vmem>>, vector<1x4x20000xf32>
    %get3A_3 = vector.shape_cast %get3A_2 : vector<1x4x20000xf32> to vector<4x20000xf32>
    %get3A_4 = arith.constant 0 : index
    %get3A_5 = arith.constant 0 : index
    %get3A_6 = arith.constant 0 : index
    %get3A_7 = vector.load %arg3[%get3A_4, %get3A_5, %get3A_6] : memref<1x4x20000xf32, #tpu.memory_space<vmem>>, vector<1x4x20000xf32>
    %get3A_8 = vector.shape_cast %get3A_7 : vector<1x4x20000xf32> to vector<4x20000xf32>
    %slice3A = vector.extract_strided_slice %get3A_8 {offsets = [0, 0], sizes = [1, 20000], strides = [1, 1]} : vector<4x20000xf32> to vector<1x20000xf32>
    %squeeze3A = vector.shape_cast %slice3A : vector<1x20000xf32> to vector<20000xf32>
    %slice3A_9 = vector.extract_strided_slice %get3A_8 {offsets = [2, 0], sizes = [1, 20000], strides = [1, 1]} : vector<4x20000xf32> to vector<1x20000xf32>
    %squeeze3A_10 = vector.shape_cast %slice3A_9 : vector<1x20000xf32> to vector<20000xf32>
    %add3A = arith.addf %squeeze3A, %squeeze3A_10 : vector<20000xf32>
    %mul3A = arith.constant 5.000000e-01 : f32
    %mul3A_11 = vector.broadcast %mul3A : f32 to vector<20000xf32>
    %mul3A_12 = arith.mulf %add3A, %mul3A_11 : vector<20000xf32>
    %slice3A_13 = vector.extract_strided_slice %get3A_8 {offsets = [1, 0], sizes = [1, 20000], strides = [1, 1]} : vector<4x20000xf32> to vector<1x20000xf32>
    %squeeze3A_14 = vector.shape_cast %slice3A_13 : vector<1x20000xf32> to vector<20000xf32>
    %slice3A_15 = vector.extract_strided_slice %get3A_8 {offsets = [3, 0], sizes = [1, 20000], strides = [1, 1]} : vector<4x20000xf32> to vector<1x20000xf32>
    %squeeze3A_16 = vector.shape_cast %slice3A_15 : vector<1x20000xf32> to vector<20000xf32>
    %add3A_17 = arith.addf %squeeze3A_14, %squeeze3A_16 : vector<20000xf32>
    %mul3A_18 = arith.constant 5.000000e-01 : f32
    %mul3A_19 = vector.broadcast %mul3A_18 : f32 to vector<20000xf32>
    %mul3A_20 = arith.mulf %add3A_17, %mul3A_19 : vector<20000xf32>
    %slice3A_21 = vector.extract_strided_slice %get3A_8 {offsets = [2, 0], sizes = [1, 20000], strides = [1, 1]} : vector<4x20000xf32> to vector<1x20000xf32>
    %squeeze3A_22 = vector.shape_cast %slice3A_21 : vector<1x20000xf32> to vector<20000xf32>
    %slice3A_23 = vector.extract_strided_slice %get3A_8 {offsets = [0, 0], sizes = [1, 20000], strides = [1, 1]} : vector<4x20000xf32> to vector<1x20000xf32>
    %squeeze3A_24 = vector.shape_cast %slice3A_23 : vector<1x20000xf32> to vector<20000xf32>
    %sub3A = arith.subf %squeeze3A_22, %squeeze3A_24 : vector<20000xf32>
    %slice3A_25 = vector.extract_strided_slice %get3A_8 {offsets = [3, 0], sizes = [1, 20000], strides = [1, 1]} : vector<4x20000xf32> to vector<1x20000xf32>
    %squeeze3A_26 = vector.shape_cast %slice3A_25 : vector<1x20000xf32> to vector<20000xf32>
    %slice3A_27 = vector.extract_strided_slice %get3A_8 {offsets = [1, 0], sizes = [1, 20000], strides = [1, 1]} : vector<4x20000xf32> to vector<1x20000xf32>
    %squeeze3A_28 = vector.shape_cast %slice3A_27 : vector<1x20000xf32> to vector<20000xf32>
    %sub3A_29 = arith.subf %squeeze3A_26, %squeeze3A_28 : vector<20000xf32>
    %slice3A_30 = vector.extract_strided_slice %get3A_3 {offsets = [0, 0], sizes = [1, 20000], strides = [1, 1]} : vector<4x20000xf32> to vector<1x20000xf32>
    %squeeze3A_31 = vector.shape_cast %slice3A_30 : vector<1x20000xf32> to vector<20000xf32>
    %slice3A_32 = vector.extract_strided_slice %get3A_3 {offsets = [1, 0], sizes = [1, 20000], strides = [1, 1]} : vector<4x20000xf32> to vector<1x20000xf32>
    %squeeze3A_33 = vector.shape_cast %slice3A_32 : vector<1x20000xf32> to vector<20000xf32>
    %slice3A_34 = vector.extract_strided_slice %get3A_3 {offsets = [2, 0], sizes = [1, 20000], strides = [1, 1]} : vector<4x20000xf32> to vector<1x20000xf32>
    %squeeze3A_35 = vector.shape_cast %slice3A_34 : vector<1x20000xf32> to vector<20000xf32>
    %jit3A = arith.constant -4.13516665 : f32
    %jit3A_36 = arith.constant 4.13516665 : f32
    %max3A = vector.broadcast %jit3A : f32 to vector<20000xf32>
    %max3A_37 = arith.maximumf %max3A, %squeeze3A_35 : vector<20000xf32>
    %min3A = vector.broadcast %jit3A_36 : f32 to vector<20000xf32>
    %min3A_38 = arith.minimumf %min3A, %max3A_37 : vector<20000xf32>
    %slice3A_39 = vector.extract_strided_slice %get3A_3 {offsets = [3, 0], sizes = [1, 20000], strides = [1, 1]} : vector<4x20000xf32> to vector<1x20000xf32>
    %squeeze3A_40 = vector.shape_cast %slice3A_39 : vector<1x20000xf32> to vector<20000xf32>
    %jit3A_41 = arith.constant -4.13516665 : f32
    %jit3A_42 = arith.constant 4.13516665 : f32
    %max3A_43 = vector.broadcast %jit3A_41 : f32 to vector<20000xf32>
    %max3A_44 = arith.maximumf %max3A_43, %squeeze3A_40 : vector<20000xf32>
    %min3A_45 = vector.broadcast %jit3A_42 : f32 to vector<20000xf32>
    %min3A_46 = arith.minimumf %min3A_45, %max3A_44 : vector<20000xf32>
    %exp3A = math.exp %min3A_38 : vector<20000xf32>
    %mul3A_47 = arith.mulf %exp3A, %sub3A : vector<20000xf32>
    %exp3A_48 = math.exp %min3A_46 : vector<20000xf32>
    %mul3A_49 = arith.mulf %exp3A_48, %sub3A_29 : vector<20000xf32>
    %mul3A_50 = arith.mulf %squeeze3A_31, %sub3A : vector<20000xf32>
    %add3A_51 = arith.addf %mul3A_50, %mul3A_12 : vector<20000xf32>
    %mul3A_52 = arith.mulf %squeeze3A_33, %sub3A_29 : vector<20000xf32>
    %add3A_53 = arith.addf %mul3A_52, %mul3A_20 : vector<20000xf32>
    %mul3A_54 = arith.constant 5.000000e-01 : f32
    %mul3A_55 = vector.broadcast %mul3A_54 : f32 to vector<20000xf32>
    %mul3A_56 = arith.mulf %mul3A_47, %mul3A_55 : vector<20000xf32>
    %sub3A_57 = arith.subf %add3A_51, %mul3A_56 : vector<20000xf32>
    %mul3A_58 = arith.constant 5.000000e-01 : f32
    %mul3A_59 = vector.broadcast %mul3A_58 : f32 to vector<20000xf32>
    %mul3A_60 = arith.mulf %mul3A_49, %mul3A_59 : vector<20000xf32>
    %sub3A_61 = arith.subf %add3A_53, %mul3A_60 : vector<20000xf32>
    %mul3A_62 = arith.constant 5.000000e-01 : f32
    %mul3A_63 = vector.broadcast %mul3A_62 : f32 to vector<20000xf32>
    %mul3A_64 = arith.mulf %mul3A_47, %mul3A_63 : vector<20000xf32>
    %add3A_65 = arith.addf %add3A_51, %mul3A_64 : vector<20000xf32>
    %mul3A_66 = arith.constant 5.000000e-01 : f32
    %mul3A_67 = vector.broadcast %mul3A_66 : f32 to vector<20000xf32>
    %mul3A_68 = arith.mulf %mul3A_49, %mul3A_67 : vector<20000xf32>
    %add3A_69 = arith.addf %add3A_53, %mul3A_68 : vector<20000xf32>
    %get3A_70 = arith.index_cast %arg0 : i32 to index
    %get3A_71 = arith.constant 0 : index
    %get3A_72 = vector.load %arg4[%get3A_70, %get3A_71] : memref<8x2xf32, #tpu.memory_space<vmem>>, vector<1x1xf32>
    %get3A_73 = vector.extract %get3A_72[0, 0] : f32 from vector<1x1xf32>
    %get3A_74 = arith.index_cast %arg0 : i32 to index
    %get3A_75 = arith.constant 1 : index
    %get3A_76 = vector.load %arg4[%get3A_74, %get3A_75] : memref<8x2xf32, #tpu.memory_space<vmem>>, vector<1x1xf32>
    %get3A_77 = vector.extract %get3A_76[0, 0] : f32 from vector<1x1xf32>
    %max3A_78 = arith.constant 0.000000e+00 : f32
    %max3A_79 = vector.broadcast %max3A_78 : f32 to vector<20000xf32>
    %max3A_80 = arith.maximumf %sub3A_57, %max3A_79 : vector<20000xf32>
    %min3A_81 = vector.broadcast %get3A_73 : f32 to vector<20000xf32>
    %min3A_82 = arith.minimumf %max3A_80, %min3A_81 : vector<20000xf32>
    %max3A_83 = arith.constant 0.000000e+00 : f32
    %max3A_84 = vector.broadcast %max3A_83 : f32 to vector<20000xf32>
    %max3A_85 = arith.maximumf %sub3A_61, %max3A_84 : vector<20000xf32>
    %min3A_86 = vector.broadcast %get3A_77 : f32 to vector<20000xf32>
    %min3A_87 = arith.minimumf %max3A_85, %min3A_86 : vector<20000xf32>
    %max3A_88 = arith.constant 0.000000e+00 : f32
    %max3A_89 = vector.broadcast %max3A_88 : f32 to vector<20000xf32>
    %max3A_90 = arith.maximumf %add3A_65, %max3A_89 : vector<20000xf32>
    %min3A_91 = vector.broadcast %get3A_73 : f32 to vector<20000xf32>
    %min3A_92 = arith.minimumf %max3A_90, %min3A_91 : vector<20000xf32>
    %max3A_93 = arith.constant 0.000000e+00 : f32
    %max3A_94 = vector.broadcast %max3A_93 : f32 to vector<20000xf32>
    %max3A_95 = arith.maximumf %add3A_69, %max3A_94 : vector<20000xf32>
    %min3A_96 = vector.broadcast %get3A_77 : f32 to vector<20000xf32>
    %min3A_97 = arith.minimumf %max3A_95, %min3A_96 : vector<20000xf32>
    %stack3A = vector.shape_cast %min3A_82 : vector<20000xf32> to vector<1x20000xf32>
    %stack3A_98 = vector.shape_cast %min3A_87 : vector<20000xf32> to vector<1x20000xf32>
    %stack3A_99 = vector.shape_cast %min3A_92 : vector<20000xf32> to vector<1x20000xf32>
    %stack3A_100 = vector.shape_cast %min3A_97 : vector<20000xf32> to vector<1x20000xf32>
    %stack3A_101 = tpu.concatenate %stack3A, %stack3A_98, %stack3A_99, %stack3A_100 in 0 : vector<1x20000xf32>, vector<1x20000xf32>, vector<1x20000xf32>, vector<1x20000xf32> -> vector<4x20000xf32>
    %swap3A = arith.constant 0 : index
    %swap3A_102 = arith.constant 0 : index
    %swap3A_103 = arith.constant 0 : index
    %swap3A_104 = vector.load %arg5[%swap3A, %swap3A_102, %swap3A_103] : memref<1x4x20000xf32, #tpu.memory_space<vmem>>, vector<1x4x20000xf32>
    %swap3A_105 = vector.shape_cast %swap3A_104 : vector<1x4x20000xf32> to vector<4x20000xf32>
    %swap3A_106 = vector.shape_cast %stack3A_101 : vector<4x20000xf32> to vector<1x4x20000xf32>
    tpu.vector_store %arg5[%swap3A, %swap3A_102, %swap3A_103], %swap3A_106 {strides = array<i32>} : memref<1x4x20000xf32, #tpu.memory_space<vmem>>, vector<1x4x20000xf32>,
    %get3A_107 = arith.constant 0 : index
    %get3A_108 = arith.constant 0 : index
    %get3A_109 = arith.constant 0 : index
    %get3A_110 = vector.load %arg2[%get3A_107, %get3A_108, %get3A_109] : memref<1x8x20000xf32, #tpu.memory_space<vmem>>, vector<1x8x20000xf32>
    %get3A_111 = vector.shape_cast %get3A_110 : vector<1x8x20000xf32> to vector<8x20000xf32>
    %logistic3A = arith.negf %get3A_111 : vector<8x20000xf32>
    %logistic3A_112 = math.exp %logistic3A : vector<8x20000xf32>
    %logistic3A_113 = arith.constant 1.000000e+00 : f32
    %logistic3A_114 = vector.broadcast %logistic3A_113 : f32 to vector<8x20000xf32>
    %logistic3A_115 = arith.addf %logistic3A_114, %logistic3A_112 : vector<8x20000xf32>
    %logistic3A_116 = arith.divf %logistic3A_114, %logistic3A_115 : vector<8x20000xf32>
    %swap3A_117 = arith.constant 0 : index
    %swap3A_118 = arith.constant 0 : index
    %swap3A_119 = arith.constant 0 : index
    %swap3A_120 = vector.load %arg6[%swap3A_117, %swap3A_118, %swap3A_119] : memref<1x8x20000xf32, #tpu.memory_space<vmem>>, vector<1x8x20000xf32>
    %swap3A_121 = vector.shape_cast %swap3A_120 : vector<1x8x20000xf32> to vector<8x20000xf32>
    %swap3A_122 = vector.shape_cast %logistic3A_116 : vector<8x20000xf32> to vector<1x8x20000xf32>
    tpu.vector_store %arg6[%swap3A_117, %swap3A_118, %swap3A_119], %swap3A_122 {strides = array<i32>} : memref<1x8x20000xf32, #tpu.memory_space<vmem>>, vector<1x8x20000xf32>,
    return
  }
  func.func @transform_0(%arg0: i32) -> (i32, i32, i32) {
    %c0_i32 = arith.constant 0 : i32
    %c0_i32_0 = arith.constant 0 : i32
    %c0_i32_1 = arith.constant 0 : i32
    return %arg0, %c0_i32, %c0_i32_0 : i32, i32, i32
  }
  func.func @transform_1(%arg0: i32) -> (i32, i32, i32) {
    %c0_i32 = arith.constant 0 : i32
    %c0_i32_0 = arith.constant 0 : i32
    %c0_i32_1 = arith.constant 0 : i32
    return %arg0, %c0_i32, %c0_i32_0 : i32, i32, i32
  }
  func.func @transform_2(%arg0: i32) -> (i32, i32, i32) {
    %c0_i32 = arith.constant 0 : i32
    %c0_i32_0 = arith.constant 0 : i32
    %c0_i32_1 = arith.constant 0 : i32
    return %arg0, %c0_i32, %c0_i32_0 : i32, i32, i32
  }
  func.func @transform_3(%arg0: i32) -> (i32, i32) {
    %c0_i32 = arith.constant 0 : i32
    %c0_i32_0 = arith.constant 0 : i32
    %c0_i32_1 = arith.constant 0 : i32
    return %c0_i32, %c0_i32_0 : i32, i32
  }
  func.func @transform_4(%arg0: i32) -> (i32, i32, i32) {
    %c0_i32 = arith.constant 0 : i32
    %c0_i32_0 = arith.constant 0 : i32
    %c0_i32_1 = arith.constant 0 : i32
    return %arg0, %c0_i32, %c0_i32_0 : i32, i32, i32
  }
  func.func @transform_5(%arg0: i32) -> (i32, i32, i32) {
    %c0_i32 = arith.constant 0 : i32
    %c0_i32_0 = arith.constant 0 : i32
    %c0_i32_1 = arith.constant 0 : i32
    return %arg0, %c0_i32, %c0_i32_0 : i32, i32, i32
  }
}

module attributes {stable_mosaic.version = 14 : i64} {
  func.func @_nms_kernel(%arg0: memref<8x128x56xf32, #tpu.memory_space<vmem>>, %arg1: memref<8x128x56xf32, #tpu.memory_space<vmem>>, %arg2: memref<8x128x56xf32, #tpu.memory_space<vmem>>, %arg3: memref<8x128x56xf32, #tpu.memory_space<vmem>>, %arg4: memref<8x128x56xf32, #tpu.memory_space<vmem>>, %arg5: memref<8x128x1x56xf32, #tpu.memory_space<vmem>>, %arg6: memref<8x128x1x56xf32, #tpu.memory_space<vmem>>, %arg7: memref<8x128x1x56xf32, #tpu.memory_space<vmem>>, %arg8: memref<8x128x1x56xf32, #tpu.memory_space<vmem>>, %arg9: memref<128x56xf32, #tpu.memory_space<vmem>>, %arg10: memref<128x56xf32, #tpu.memory_space<vmem>>, %arg11: memref<128x56xf32, #tpu.memory_space<vmem>>, %arg12: memref<128x56xf32, #tpu.memory_space<vmem>>, %arg13: memref<128x56xf32, #tpu.memory_space<vmem>>) attributes {dimension_semantics = [], scalar_prefetch = 0 : i64, scratch_operands = 0 : i64, tpu.core_type = #tpu.core_type<tc>} {
    %iota3A = tpu.iota {dimensions = array<i32: 0>} : vector<128x128x1xi32>
    %iota3A_0 = tpu.iota {dimensions = array<i32: 1>} : vector<128x128x1xi32>
    %lt3A = arith.cmpi slt, %iota3A_0, %iota3A : vector<128x128x1xi32>
    %iota3A_1 = tpu.iota {dimensions = array<i32: 0>} : vector<128x1x1xi32>
    %convert_element_type3A = arith.sitofp %iota3A_1 : vector<128x1x1xi32> to vector<128x1x1xf32>
    %broadcast_in_dim3A = arith.constant 0.000000e+00 : f32
    %broadcast_in_dim3A_2 = vector.broadcast %broadcast_in_dim3A : f32 to vector<1x56xf32>
    %broadcast_in_dim3A_3 = arith.constant -1.000000e+00 : f32
    %broadcast_in_dim3A_4 = vector.broadcast %broadcast_in_dim3A_3 : f32 to vector<128x56xf32>
    %broadcast_in_dim3A_5 = arith.constant 0.000000e+00 : f32
    %broadcast_in_dim3A_6 = vector.broadcast %broadcast_in_dim3A_5 : f32 to vector<128x56xf32>
    %broadcast_in_dim3A_7 = arith.constant 0.000000e+00 : f32
    %broadcast_in_dim3A_8 = vector.broadcast %broadcast_in_dim3A_7 : f32 to vector<128x56xf32>
    %broadcast_in_dim3A_9 = arith.constant 0.000000e+00 : f32
    %broadcast_in_dim3A_10 = vector.broadcast %broadcast_in_dim3A_9 : f32 to vector<128x56xf32>
    %broadcast_in_dim3A_11 = arith.constant 0.000000e+00 : f32
    %broadcast_in_dim3A_12 = vector.broadcast %broadcast_in_dim3A_11 : f32 to vector<128x56xf32>
    %while3A = arith.constant 0 : i32
    %while3A_13:7 = scf.while (%while3A_28 = %while3A, %while3A_29 = %broadcast_in_dim3A_2, %while3A_30 = %broadcast_in_dim3A_4, %while3A_31 = %broadcast_in_dim3A_6, %while3A_32 = %broadcast_in_dim3A_8, %while3A_33 = %broadcast_in_dim3A_10, %while3A_34 = %broadcast_in_dim3A_12) : (i32, vector<1x56xf32>, vector<128x56xf32>, vector<128x56xf32>, vector<128x56xf32>, vector<128x56xf32>, vector<128x56xf32>) -> (i32, vector<1x56xf32>, vector<128x56xf32>, vector<128x56xf32>, vector<128x56xf32>, vector<128x56xf32>, vector<128x56xf32>) {
      %lt3A_35 = arith.constant 8 : i32
      %lt3A_36 = arith.cmpi slt, %while3A_28, %lt3A_35 : i32
      %lt3A_37 = arith.constant 1.000000e+02 : f32
      %lt3A_38 = vector.broadcast %lt3A_37 : f32 to vector<1x56xf32>
      %lt3A_39 = arith.cmpf olt, %while3A_29, %lt3A_38 : vector<1x56xf32>
      %reduce_or3A = arith.constant 1.000000e+00 : f32
      %reduce_or3A_40 = arith.constant 0.000000e+00 : f32
      %reduce_or3A_41 = vector.broadcast %reduce_or3A : f32 to vector<1x56xf32>
      %reduce_or3A_42 = vector.broadcast %reduce_or3A_40 : f32 to vector<1x56xf32>
      %reduce_or3A_43 = arith.select %lt3A_39, %reduce_or3A_41, %reduce_or3A_42 : vector<1x56xi1>, vector<1x56xf32>
      %reduce_or3A_44 = vector.shape_cast %reduce_or3A_43 : vector<1x56xf32> to vector<1x1x56xf32>
      %reduce_or3A_45 = arith.constant dense<0xFF800000> : vector<1xf32>
      %reduce_or3A_46 = vector.multi_reduction <maximumf>, %reduce_or3A_44, %reduce_or3A_45 [1, 2] : vector<1x1x56xf32> to vector<1xf32>
      %reduce_or3A_47 = vector.shape_cast %reduce_or3A_46 : vector<1xf32> to vector<1x1x1xf32>
      %reduce_or3A_48 = vector.extract %reduce_or3A_47[0, 0, 0] : f32 from vector<1x1x1xf32>
      %reduce_or3A_49 = arith.constant 0.000000e+00 : f32
      %reduce_or3A_50 = arith.cmpf ogt, %reduce_or3A_48, %reduce_or3A_49 : f32
      %and3A = arith.andi %lt3A_36, %reduce_or3A_50 : i1
      scf.condition(%and3A) %while3A_28, %while3A_29, %while3A_30, %while3A_31, %while3A_32, %while3A_33, %while3A_34 : i32, vector<1x56xf32>, vector<128x56xf32>, vector<128x56xf32>, vector<128x56xf32>, vector<128x56xf32>, vector<128x56xf32>
    } do {
    ^bb0(%while3A_28: i32, %while3A_29: vector<1x56xf32>, %while3A_30: vector<128x56xf32>, %while3A_31: vector<128x56xf32>, %while3A_32: vector<128x56xf32>, %while3A_33: vector<128x56xf32>, %while3A_34: vector<128x56xf32>):
      %get3A = arith.index_cast %while3A_28 : i32 to index
      %get3A_35 = arith.constant 0 : index
      %get3A_36 = arith.constant 0 : index
      %get3A_37 = vector.load %arg0[%get3A, %get3A_35, %get3A_36] : memref<8x128x56xf32, #tpu.memory_space<vmem>>, vector<1x128x56xf32>
      %get3A_38 = vector.shape_cast %get3A_37 : vector<1x128x56xf32> to vector<128x56xf32>
      %get3A_39 = arith.index_cast %while3A_28 : i32 to index
      %get3A_40 = arith.constant 0 : index
      %get3A_41 = arith.constant 0 : index
      %get3A_42 = vector.load %arg1[%get3A_39, %get3A_40, %get3A_41] : memref<8x128x56xf32, #tpu.memory_space<vmem>>, vector<1x128x56xf32>
      %get3A_43 = vector.shape_cast %get3A_42 : vector<1x128x56xf32> to vector<128x56xf32>
      %get3A_44 = arith.index_cast %while3A_28 : i32 to index
      %get3A_45 = arith.constant 0 : index
      %get3A_46 = arith.constant 0 : index
      %get3A_47 = vector.load %arg2[%get3A_44, %get3A_45, %get3A_46] : memref<8x128x56xf32, #tpu.memory_space<vmem>>, vector<1x128x56xf32>
      %get3A_48 = vector.shape_cast %get3A_47 : vector<1x128x56xf32> to vector<128x56xf32>
      %get3A_49 = arith.index_cast %while3A_28 : i32 to index
      %get3A_50 = arith.constant 0 : index
      %get3A_51 = arith.constant 0 : index
      %get3A_52 = vector.load %arg3[%get3A_49, %get3A_50, %get3A_51] : memref<8x128x56xf32, #tpu.memory_space<vmem>>, vector<1x128x56xf32>
      %get3A_53 = vector.shape_cast %get3A_52 : vector<1x128x56xf32> to vector<128x56xf32>
      %get3A_54 = arith.index_cast %while3A_28 : i32 to index
      %get3A_55 = arith.constant 0 : index
      %get3A_56 = arith.constant 0 : index
      %get3A_57 = vector.load %arg4[%get3A_54, %get3A_55, %get3A_56] : memref<8x128x56xf32, #tpu.memory_space<vmem>>, vector<1x128x56xf32>
      %get3A_58 = vector.shape_cast %get3A_57 : vector<1x128x56xf32> to vector<128x56xf32>
      %get3A_59 = arith.index_cast %while3A_28 : i32 to index
      %get3A_60 = arith.constant 0 : index
      %get3A_61 = arith.constant 0 : index
      %get3A_62 = arith.constant 0 : index
      %get3A_63 = vector.load %arg5[%get3A_59, %get3A_60, %get3A_61, %get3A_62] : memref<8x128x1x56xf32, #tpu.memory_space<vmem>>, vector<1x128x1x56xf32>
      %get3A_64 = vector.shape_cast %get3A_63 : vector<1x128x1x56xf32> to vector<128x1x56xf32>
      %get3A_65 = arith.index_cast %while3A_28 : i32 to index
      %get3A_66 = arith.constant 0 : index
      %get3A_67 = arith.constant 0 : index
      %get3A_68 = arith.constant 0 : index
      %get3A_69 = vector.load %arg6[%get3A_65, %get3A_66, %get3A_67, %get3A_68] : memref<8x128x1x56xf32, #tpu.memory_space<vmem>>, vector<1x128x1x56xf32>
      %get3A_70 = vector.shape_cast %get3A_69 : vector<1x128x1x56xf32> to vector<128x1x56xf32>
      %get3A_71 = arith.index_cast %while3A_28 : i32 to index
      %get3A_72 = arith.constant 0 : index
      %get3A_73 = arith.constant 0 : index
      %get3A_74 = arith.constant 0 : index
      %get3A_75 = vector.load %arg7[%get3A_71, %get3A_72, %get3A_73, %get3A_74] : memref<8x128x1x56xf32, #tpu.memory_space<vmem>>, vector<1x128x1x56xf32>
      %get3A_76 = vector.shape_cast %get3A_75 : vector<1x128x1x56xf32> to vector<128x1x56xf32>
      %get3A_77 = arith.index_cast %while3A_28 : i32 to index
      %get3A_78 = arith.constant 0 : index
      %get3A_79 = arith.constant 0 : index
      %get3A_80 = arith.constant 0 : index
      %get3A_81 = vector.load %arg8[%get3A_77, %get3A_78, %get3A_79, %get3A_80] : memref<8x128x1x56xf32, #tpu.memory_space<vmem>>, vector<1x128x1x56xf32>
      %get3A_82 = vector.shape_cast %get3A_81 : vector<1x128x1x56xf32> to vector<128x1x56xf32>
      %ge3A = arith.constant 0.000000e+00 : f32
      %ge3A_83 = vector.broadcast %ge3A : f32 to vector<128x56xf32>
      %ge3A_84 = arith.cmpf oge, %get3A_38, %ge3A_83 : vector<128x56xf32>
      %broadcast_in_dim3A_85 = vector.shape_cast %while3A_31 : vector<128x56xf32> to vector<1x128x56xf32>
      %broadcast_in_dim3A_86 = vector.shape_cast %while3A_32 : vector<128x56xf32> to vector<1x128x56xf32>
      %broadcast_in_dim3A_87 = vector.shape_cast %while3A_33 : vector<128x56xf32> to vector<1x128x56xf32>
      %broadcast_in_dim3A_88 = vector.shape_cast %while3A_34 : vector<128x56xf32> to vector<1x128x56xf32>
      %max3A = vector.broadcast %get3A_64 : vector<128x1x56xf32> to vector<128x128x56xf32>
      %max3A_89 = vector.broadcast %broadcast_in_dim3A_85 : vector<1x128x56xf32> to vector<128x128x56xf32>
      %max3A_90 = arith.maximumf %max3A, %max3A_89 : vector<128x128x56xf32>
      %max3A_91 = vector.broadcast %get3A_70 : vector<128x1x56xf32> to vector<128x128x56xf32>
      %max3A_92 = vector.broadcast %broadcast_in_dim3A_86 : vector<1x128x56xf32> to vector<128x128x56xf32>
      %max3A_93 = arith.maximumf %max3A_91, %max3A_92 : vector<128x128x56xf32>
      %min3A = vector.broadcast %get3A_76 : vector<128x1x56xf32> to vector<128x128x56xf32>
      %min3A_94 = vector.broadcast %broadcast_in_dim3A_87 : vector<1x128x56xf32> to vector<128x128x56xf32>
      %min3A_95 = arith.minimumf %min3A, %min3A_94 : vector<128x128x56xf32>
      %min3A_96 = vector.broadcast %get3A_82 : vector<128x1x56xf32> to vector<128x128x56xf32>
      %min3A_97 = vector.broadcast %broadcast_in_dim3A_88 : vector<1x128x56xf32> to vector<128x128x56xf32>
      %min3A_98 = arith.minimumf %min3A_96, %min3A_97 : vector<128x128x56xf32>
      %sub3A = arith.subf %min3A_95, %max3A_90 : vector<128x128x56xf32>
      %max3A_99 = arith.constant 0.000000e+00 : f32
      %max3A_100 = vector.broadcast %max3A_99 : f32 to vector<128x128x56xf32>
      %max3A_101 = arith.maximumf %sub3A, %max3A_100 : vector<128x128x56xf32>
      %sub3A_102 = arith.subf %min3A_98, %max3A_93 : vector<128x128x56xf32>
      %max3A_103 = arith.constant 0.000000e+00 : f32
      %max3A_104 = vector.broadcast %max3A_103 : f32 to vector<128x128x56xf32>
      %max3A_105 = arith.maximumf %sub3A_102, %max3A_104 : vector<128x128x56xf32>
      %mul3A = arith.mulf %max3A_101, %max3A_105 : vector<128x128x56xf32>
      %sub3A_106 = arith.subf %get3A_76, %get3A_64 : vector<128x1x56xf32>
      %sub3A_107 = arith.subf %get3A_82, %get3A_70 : vector<128x1x56xf32>
      %mul3A_108 = arith.mulf %sub3A_106, %sub3A_107 : vector<128x1x56xf32>
      %sub3A_109 = arith.subf %broadcast_in_dim3A_87, %broadcast_in_dim3A_85 : vector<1x128x56xf32>
      %sub3A_110 = arith.subf %broadcast_in_dim3A_88, %broadcast_in_dim3A_86 : vector<1x128x56xf32>
      %mul3A_111 = arith.mulf %sub3A_109, %sub3A_110 : vector<1x128x56xf32>
      %add3A = vector.broadcast %mul3A_108 : vector<128x1x56xf32> to vector<128x128x56xf32>
      %add3A_112 = vector.broadcast %mul3A_111 : vector<1x128x56xf32> to vector<128x128x56xf32>
      %add3A_113 = arith.addf %add3A, %add3A_112 : vector<128x128x56xf32>
      %sub3A_114 = arith.subf %add3A_113, %mul3A : vector<128x128x56xf32>
      %add3A_115 = arith.constant 9.99999993E-9 : f32
      %add3A_116 = vector.broadcast %add3A_115 : f32 to vector<128x128x56xf32>
      %add3A_117 = arith.addf %sub3A_114, %add3A_116 : vector<128x128x56xf32>
      %div3A = arith.divf %mul3A, %add3A_117 : vector<128x128x56xf32>
      %gt3A = arith.constant 5.000000e-01 : f32
      %gt3A_118 = vector.broadcast %gt3A : f32 to vector<128x128x56xf32>
      %gt3A_119 = arith.cmpf ogt, %div3A, %gt3A_118 : vector<128x128x56xf32>
      %reduce_or3A = arith.constant 1.000000e+00 : f32
      %reduce_or3A_120 = arith.constant 0.000000e+00 : f32
      %reduce_or3A_121 = vector.broadcast %reduce_or3A : f32 to vector<128x128x56xf32>
      %reduce_or3A_122 = vector.broadcast %reduce_or3A_120 : f32 to vector<128x128x56xf32>
      %reduce_or3A_123 = arith.select %gt3A_119, %reduce_or3A_121, %reduce_or3A_122 : vector<128x128x56xi1>, vector<128x128x56xf32>
      %reduce_or3A_124 = arith.constant dense<0xFF800000> : vector<128x56xf32>
      %reduce_or3A_125 = vector.multi_reduction <maximumf>, %reduce_or3A_123, %reduce_or3A_124 [1] : vector<128x128x56xf32> to vector<128x56xf32>
      %reduce_or3A_126 = arith.constant 0.000000e+00 : f32
      %reduce_or3A_127 = vector.broadcast %reduce_or3A_126 : f32 to vector<128x56xf32>
      %reduce_or3A_128 = arith.cmpf ogt, %reduce_or3A_125, %reduce_or3A_127 : vector<128x56xf32>
      %not3A = arith.constant dense<true> : vector<128x56xi1>
      %not3A_129 = arith.xori %reduce_or3A_128, %not3A : vector<128x56xi1>
      %and3A = arith.andi %ge3A_84, %not3A_129 : vector<128x56xi1>
      %broadcast_in_dim3A_130 = vector.shape_cast %get3A_43 : vector<128x56xf32> to vector<1x128x56xf32>
      %broadcast_in_dim3A_131 = vector.shape_cast %get3A_48 : vector<128x56xf32> to vector<1x128x56xf32>
      %broadcast_in_dim3A_132 = vector.shape_cast %get3A_53 : vector<128x56xf32> to vector<1x128x56xf32>
      %broadcast_in_dim3A_133 = vector.shape_cast %get3A_58 : vector<128x56xf32> to vector<1x128x56xf32>
      %max3A_134 = vector.broadcast %get3A_64 : vector<128x1x56xf32> to vector<128x128x56xf32>
      %max3A_135 = vector.broadcast %broadcast_in_dim3A_130 : vector<1x128x56xf32> to vector<128x128x56xf32>
      %max3A_136 = arith.maximumf %max3A_134, %max3A_135 : vector<128x128x56xf32>
      %max3A_137 = vector.broadcast %get3A_70 : vector<128x1x56xf32> to vector<128x128x56xf32>
      %max3A_138 = vector.broadcast %broadcast_in_dim3A_131 : vector<1x128x56xf32> to vector<128x128x56xf32>
      %max3A_139 = arith.maximumf %max3A_137, %max3A_138 : vector<128x128x56xf32>
      %min3A_140 = vector.broadcast %get3A_76 : vector<128x1x56xf32> to vector<128x128x56xf32>
      %min3A_141 = vector.broadcast %broadcast_in_dim3A_132 : vector<1x128x56xf32> to vector<128x128x56xf32>
      %min3A_142 = arith.minimumf %min3A_140, %min3A_141 : vector<128x128x56xf32>
      %min3A_143 = vector.broadcast %get3A_82 : vector<128x1x56xf32> to vector<128x128x56xf32>
      %min3A_144 = vector.broadcast %broadcast_in_dim3A_133 : vector<1x128x56xf32> to vector<128x128x56xf32>
      %min3A_145 = arith.minimumf %min3A_143, %min3A_144 : vector<128x128x56xf32>
      %sub3A_146 = arith.subf %min3A_142, %max3A_136 : vector<128x128x56xf32>
      %max3A_147 = arith.constant 0.000000e+00 : f32
      %max3A_148 = vector.broadcast %max3A_147 : f32 to vector<128x128x56xf32>
      %max3A_149 = arith.maximumf %sub3A_146, %max3A_148 : vector<128x128x56xf32>
      %sub3A_150 = arith.subf %min3A_145, %max3A_139 : vector<128x128x56xf32>
      %max3A_151 = arith.constant 0.000000e+00 : f32
      %max3A_152 = vector.broadcast %max3A_151 : f32 to vector<128x128x56xf32>
      %max3A_153 = arith.maximumf %sub3A_150, %max3A_152 : vector<128x128x56xf32>
      %mul3A_154 = arith.mulf %max3A_149, %max3A_153 : vector<128x128x56xf32>
      %sub3A_155 = arith.subf %get3A_76, %get3A_64 : vector<128x1x56xf32>
      %sub3A_156 = arith.subf %get3A_82, %get3A_70 : vector<128x1x56xf32>
      %mul3A_157 = arith.mulf %sub3A_155, %sub3A_156 : vector<128x1x56xf32>
      %sub3A_158 = arith.subf %broadcast_in_dim3A_132, %broadcast_in_dim3A_130 : vector<1x128x56xf32>
      %sub3A_159 = arith.subf %broadcast_in_dim3A_133, %broadcast_in_dim3A_131 : vector<1x128x56xf32>
      %mul3A_160 = arith.mulf %sub3A_158, %sub3A_159 : vector<1x128x56xf32>
      %add3A_161 = vector.broadcast %mul3A_157 : vector<128x1x56xf32> to vector<128x128x56xf32>
      %add3A_162 = vector.broadcast %mul3A_160 : vector<1x128x56xf32> to vector<128x128x56xf32>
      %add3A_163 = arith.addf %add3A_161, %add3A_162 : vector<128x128x56xf32>
      %sub3A_164 = arith.subf %add3A_163, %mul3A_154 : vector<128x128x56xf32>
      %add3A_165 = arith.constant 9.99999993E-9 : f32
      %add3A_166 = vector.broadcast %add3A_165 : f32 to vector<128x128x56xf32>
      %add3A_167 = arith.addf %sub3A_164, %add3A_166 : vector<128x128x56xf32>
      %div3A_168 = arith.divf %mul3A_154, %add3A_167 : vector<128x128x56xf32>
      %gt3A_169 = arith.constant 5.000000e-01 : f32
      %gt3A_170 = vector.broadcast %gt3A_169 : f32 to vector<128x128x56xf32>
      %gt3A_171 = arith.cmpf ogt, %div3A_168, %gt3A_170 : vector<128x128x56xf32>
      %and3A_172 = vector.broadcast %lt3A : vector<128x128x1xi1> to vector<128x128x56xi1>
      %and3A_173 = arith.andi %gt3A_171, %and3A_172 : vector<128x128x56xi1>
      %jit3A = arith.constant 1.000000e+00 : f32
      %jit3A_174 = arith.constant 0.000000e+00 : f32
      %broadcast_in_dim3A_175 = vector.broadcast %jit3A : f32 to vector<128x128x56xf32>
      %broadcast_in_dim3A_176 = vector.broadcast %jit3A_174 : f32 to vector<128x128x56xf32>
      %select_n3A = arith.select %and3A_173, %broadcast_in_dim3A_175, %broadcast_in_dim3A_176 : vector<128x128x56xi1>, vector<128x128x56xf32>
      %jit3A_177 = arith.constant 1.000000e+00 : f32
      %jit3A_178 = arith.constant 0.000000e+00 : f32
      %broadcast_in_dim3A_179 = vector.broadcast %jit3A_177 : f32 to vector<128x56xf32>
      %broadcast_in_dim3A_180 = vector.broadcast %jit3A_178 : f32 to vector<128x56xf32>
      %select_n3A_181 = arith.select %and3A, %broadcast_in_dim3A_179, %broadcast_in_dim3A_180 : vector<128x56xi1>, vector<128x56xf32>
      %while3A_182 = arith.constant 1 : i32
      %while3A_183 = arith.constant 0 : i32
      %while3A_184:3 = scf.while (%while3A_255 = %select_n3A_181, %while3A_256 = %while3A_182, %while3A_257 = %while3A_183) : (vector<128x56xf32>, i32, i32) -> (vector<128x56xf32>, i32, i32) {
        %gt3A_258 = arith.constant 0 : i32
        %gt3A_259 = arith.cmpi sgt, %while3A_256, %gt3A_258 : i32
        %lt3A_260 = arith.constant 128 : i32
        %lt3A_261 = arith.cmpi slt, %while3A_257, %lt3A_260 : i32
        %and3A_262 = arith.andi %gt3A_259, %lt3A_261 : i1
        scf.condition(%and3A_262) %while3A_255, %while3A_256, %while3A_257 : vector<128x56xf32>, i32, i32
      } do {
      ^bb0(%while3A_255: vector<128x56xf32>, %while3A_256: i32, %while3A_257: i32):
        %broadcast_in_dim3A_258 = vector.shape_cast %while3A_255 : vector<128x56xf32> to vector<1x128x56xf32>
        %mul3A_259 = vector.broadcast %broadcast_in_dim3A_258 : vector<1x128x56xf32> to vector<128x128x56xf32>
        %mul3A_260 = arith.mulf %mul3A_259, %select_n3A : vector<128x128x56xf32>
        %reduce_max3A = arith.constant dense<0xFF800000> : vector<128x56xf32>
        %reduce_max3A_261 = vector.multi_reduction <maximumf>, %mul3A_260, %reduce_max3A [1] : vector<128x128x56xf32> to vector<128x56xf32>
        %le3A = arith.constant 0.000000e+00 : f32
        %le3A_262 = vector.broadcast %le3A : f32 to vector<128x56xf32>
        %le3A_263 = arith.cmpf ole, %reduce_max3A_261, %le3A_262 : vector<128x56xf32>
        %and3A_264 = arith.andi %and3A, %le3A_263 : vector<128x56xi1>
        %jit3A_265 = arith.constant 1.000000e+00 : f32
        %jit3A_266 = arith.constant 0.000000e+00 : f32
        %broadcast_in_dim3A_267 = vector.broadcast %jit3A_265 : f32 to vector<128x56xf32>
        %broadcast_in_dim3A_268 = vector.broadcast %jit3A_266 : f32 to vector<128x56xf32>
        %select_n3A_269 = arith.select %and3A_264, %broadcast_in_dim3A_267, %broadcast_in_dim3A_268 : vector<128x56xi1>, vector<128x56xf32>
        %ne3A = arith.cmpf one, %select_n3A_269, %while3A_255 : vector<128x56xf32>
        %reduce_or3A_270 = arith.constant 1.000000e+00 : f32
        %reduce_or3A_271 = arith.constant 0.000000e+00 : f32
        %reduce_or3A_272 = vector.broadcast %reduce_or3A_270 : f32 to vector<128x56xf32>
        %reduce_or3A_273 = vector.broadcast %reduce_or3A_271 : f32 to vector<128x56xf32>
        %reduce_or3A_274 = arith.select %ne3A, %reduce_or3A_272, %reduce_or3A_273 : vector<128x56xi1>, vector<128x56xf32>
        %reduce_or3A_275 = vector.shape_cast %reduce_or3A_274 : vector<128x56xf32> to vector<1x128x56xf32>
        %reduce_or3A_276 = arith.constant dense<0xFF800000> : vector<1xf32>
        %reduce_or3A_277 = vector.multi_reduction <maximumf>, %reduce_or3A_275, %reduce_or3A_276 [1, 2] : vector<1x128x56xf32> to vector<1xf32>
        %reduce_or3A_278 = vector.shape_cast %reduce_or3A_277 : vector<1xf32> to vector<1x1x1xf32>
        %reduce_or3A_279 = vector.extract %reduce_or3A_278[0, 0, 0] : f32 from vector<1x1x1xf32>
        %reduce_or3A_280 = arith.constant 0.000000e+00 : f32
        %reduce_or3A_281 = arith.cmpf ogt, %reduce_or3A_279, %reduce_or3A_280 : f32
        %convert_element_type3A_282 = arith.extui %reduce_or3A_281 : i1 to i32
        %add3A_283 = arith.constant 1 : i32
        %add3A_284 = arith.addi %while3A_257, %add3A_283 : i32
        scf.yield %select_n3A_269, %convert_element_type3A_282, %add3A_284 : vector<128x56xf32>, i32, i32
      }
      %gt3A_185 = arith.constant 0.000000e+00 : f32
      %gt3A_186 = vector.broadcast %gt3A_185 : f32 to vector<128x56xf32>
      %gt3A_187 = arith.cmpf ogt, %while3A_184#0, %gt3A_186 : vector<128x56xf32>
      %broadcast_in_dim3A_188 = vector.shape_cast %while3A_184#0 : vector<128x56xf32> to vector<1x128x56xf32>
      %jit3A_189 = arith.constant 0.000000e+00 : f32
      %broadcast_in_dim3A_190 = vector.shape_cast %lt3A : vector<128x128x1xi1> to vector<128x128x1xi1>
      %broadcast_in_dim3A_191 = vector.broadcast %broadcast_in_dim3A_190 : vector<128x128x1xi1> to vector<128x128x56xi1>
      %broadcast_in_dim3A_192 = vector.shape_cast %broadcast_in_dim3A_188 : vector<1x128x56xf32> to vector<1x128x56xf32>
      %broadcast_in_dim3A_193 = vector.broadcast %broadcast_in_dim3A_192 : vector<1x128x56xf32> to vector<128x128x56xf32>
      %broadcast_in_dim3A_194 = vector.broadcast %jit3A_189 : f32 to vector<128x128x56xf32>
      %select_n3A_195 = arith.select %broadcast_in_dim3A_191, %broadcast_in_dim3A_193, %broadcast_in_dim3A_194 : vector<128x128x56xi1>, vector<128x128x56xf32>
      %reduce_sum3A = arith.constant dense<0.000000e+00> : vector<128x56xf32>
      %reduce_sum3A_196 = vector.multi_reduction <add>, %select_n3A_195, %reduce_sum3A [1] : vector<128x128x56xf32> to vector<128x56xf32>
      %add3A_197 = vector.broadcast %while3A_29 : vector<1x56xf32> to vector<128x56xf32>
      %add3A_198 = arith.addf %add3A_197, %reduce_sum3A_196 : vector<128x56xf32>
      %lt3A_199 = arith.constant 1.000000e+02 : f32
      %lt3A_200 = vector.broadcast %lt3A_199 : f32 to vector<128x56xf32>
      %lt3A_201 = arith.cmpf olt, %add3A_198, %lt3A_200 : vector<128x56xf32>
      %and3A_202 = arith.andi %gt3A_187, %lt3A_201 : vector<128x56xi1>
      %broadcast_in_dim3A_203 = vector.shape_cast %and3A_202 : vector<128x56xi1> to vector<1x128x56xi1>
      %broadcast_in_dim3A_204 = vector.shape_cast %add3A_198 : vector<128x56xf32> to vector<1x128x56xf32>
      %eq3A = vector.broadcast %broadcast_in_dim3A_204 : vector<1x128x56xf32> to vector<128x128x56xf32>
      %eq3A_205 = vector.broadcast %convert_element_type3A : vector<128x1x1xf32> to vector<128x128x56xf32>
      %eq3A_206 = arith.cmpf oeq, %eq3A, %eq3A_205 : vector<128x128x56xf32>
      %and3A_207 = vector.broadcast %broadcast_in_dim3A_203 : vector<1x128x56xi1> to vector<128x128x56xi1>
      %and3A_208 = arith.andi %and3A_207, %eq3A_206 : vector<128x128x56xi1>
      %jit3A_209 = arith.constant 1.000000e+00 : f32
      %jit3A_210 = arith.constant 0.000000e+00 : f32
      %broadcast_in_dim3A_211 = vector.broadcast %jit3A_209 : f32 to vector<128x128x56xf32>
      %broadcast_in_dim3A_212 = vector.broadcast %jit3A_210 : f32 to vector<128x128x56xf32>
      %select_n3A_213 = arith.select %and3A_208, %broadcast_in_dim3A_211, %broadcast_in_dim3A_212 : vector<128x128x56xi1>, vector<128x128x56xf32>
      %reduce_sum3A_214 = arith.constant dense<0.000000e+00> : vector<128x56xf32>
      %reduce_sum3A_215 = vector.multi_reduction <add>, %select_n3A_213, %reduce_sum3A_214 [1] : vector<128x128x56xf32> to vector<128x56xf32>
      %gt3A_216 = arith.constant 0.000000e+00 : f32
      %gt3A_217 = vector.broadcast %gt3A_216 : f32 to vector<128x56xf32>
      %gt3A_218 = arith.cmpf ogt, %reduce_sum3A_215, %gt3A_217 : vector<128x56xf32>
      %broadcast_in_dim3A_219 = vector.shape_cast %get3A_38 : vector<128x56xf32> to vector<1x128x56xf32>
      %mul3A_220 = vector.broadcast %broadcast_in_dim3A_219 : vector<1x128x56xf32> to vector<128x128x56xf32>
      %mul3A_221 = arith.mulf %select_n3A_213, %mul3A_220 : vector<128x128x56xf32>
      %reduce_sum3A_222 = arith.constant dense<0.000000e+00> : vector<128x56xf32>
      %reduce_sum3A_223 = vector.multi_reduction <add>, %mul3A_221, %reduce_sum3A_222 [1] : vector<128x128x56xf32> to vector<128x56xf32>
      %select_n3A_224 = arith.select %gt3A_218, %reduce_sum3A_223, %while3A_30 : vector<128x56xi1>, vector<128x56xf32>
      %broadcast_in_dim3A_225 = vector.shape_cast %get3A_43 : vector<128x56xf32> to vector<1x128x56xf32>
      %mul3A_226 = vector.broadcast %broadcast_in_dim3A_225 : vector<1x128x56xf32> to vector<128x128x56xf32>
      %mul3A_227 = arith.mulf %select_n3A_213, %mul3A_226 : vector<128x128x56xf32>
      %reduce_sum3A_228 = arith.constant dense<0.000000e+00> : vector<128x56xf32>
      %reduce_sum3A_229 = vector.multi_reduction <add>, %mul3A_227, %reduce_sum3A_228 [1] : vector<128x128x56xf32> to vector<128x56xf32>
      %select_n3A_230 = arith.select %gt3A_218, %reduce_sum3A_229, %while3A_31 : vector<128x56xi1>, vector<128x56xf32>
      %broadcast_in_dim3A_231 = vector.shape_cast %get3A_48 : vector<128x56xf32> to vector<1x128x56xf32>
      %mul3A_232 = vector.broadcast %broadcast_in_dim3A_231 : vector<1x128x56xf32> to vector<128x128x56xf32>
      %mul3A_233 = arith.mulf %select_n3A_213, %mul3A_232 : vector<128x128x56xf32>
      %reduce_sum3A_234 = arith.constant dense<0.000000e+00> : vector<128x56xf32>
      %reduce_sum3A_235 = vector.multi_reduction <add>, %mul3A_233, %reduce_sum3A_234 [1] : vector<128x128x56xf32> to vector<128x56xf32>
      %select_n3A_236 = arith.select %gt3A_218, %reduce_sum3A_235, %while3A_32 : vector<128x56xi1>, vector<128x56xf32>
      %broadcast_in_dim3A_237 = vector.shape_cast %get3A_53 : vector<128x56xf32> to vector<1x128x56xf32>
      %mul3A_238 = vector.broadcast %broadcast_in_dim3A_237 : vector<1x128x56xf32> to vector<128x128x56xf32>
      %mul3A_239 = arith.mulf %select_n3A_213, %mul3A_238 : vector<128x128x56xf32>
      %reduce_sum3A_240 = arith.constant dense<0.000000e+00> : vector<128x56xf32>
      %reduce_sum3A_241 = vector.multi_reduction <add>, %mul3A_239, %reduce_sum3A_240 [1] : vector<128x128x56xf32> to vector<128x56xf32>
      %select_n3A_242 = arith.select %gt3A_218, %reduce_sum3A_241, %while3A_33 : vector<128x56xi1>, vector<128x56xf32>
      %broadcast_in_dim3A_243 = vector.shape_cast %get3A_58 : vector<128x56xf32> to vector<1x128x56xf32>
      %mul3A_244 = vector.broadcast %broadcast_in_dim3A_243 : vector<1x128x56xf32> to vector<128x128x56xf32>
      %mul3A_245 = arith.mulf %select_n3A_213, %mul3A_244 : vector<128x128x56xf32>
      %reduce_sum3A_246 = arith.constant dense<0.000000e+00> : vector<128x56xf32>
      %reduce_sum3A_247 = vector.multi_reduction <add>, %mul3A_245, %reduce_sum3A_246 [1] : vector<128x128x56xf32> to vector<128x56xf32>
      %select_n3A_248 = arith.select %gt3A_218, %reduce_sum3A_247, %while3A_34 : vector<128x56xi1>, vector<128x56xf32>
      %reduce_sum3A_249 = arith.constant dense<0.000000e+00> : vector<56xf32>
      %reduce_sum3A_250 = vector.multi_reduction <add>, %while3A_184#0, %reduce_sum3A_249 [0] : vector<128x56xf32> to vector<56xf32>
      %broadcast_in_dim3A_251 = vector.shape_cast %reduce_sum3A_250 : vector<56xf32> to vector<1x56xf32>
      %add3A_252 = arith.addf %while3A_29, %broadcast_in_dim3A_251 : vector<1x56xf32>
      %add3A_253 = arith.constant 1 : i32
      %add3A_254 = arith.addi %while3A_28, %add3A_253 : i32
      scf.yield %add3A_254, %add3A_252, %select_n3A_224, %select_n3A_230, %select_n3A_236, %select_n3A_242, %select_n3A_248 : i32, vector<1x56xf32>, vector<128x56xf32>, vector<128x56xf32>, vector<128x56xf32>, vector<128x56xf32>, vector<128x56xf32>
    }
    %swap3A = arith.constant 0 : index
    %swap3A_14 = arith.constant 0 : index
    %swap3A_15 = vector.load %arg9[%swap3A, %swap3A_14] : memref<128x56xf32, #tpu.memory_space<vmem>>, vector<128x56xf32>
    tpu.vector_store %arg9[%swap3A, %swap3A_14], %while3A_13#2 {strides = array<i32>} : memref<128x56xf32, #tpu.memory_space<vmem>>, vector<128x56xf32>,
    %swap3A_16 = arith.constant 0 : index
    %swap3A_17 = arith.constant 0 : index
    %swap3A_18 = vector.load %arg10[%swap3A_16, %swap3A_17] : memref<128x56xf32, #tpu.memory_space<vmem>>, vector<128x56xf32>
    tpu.vector_store %arg10[%swap3A_16, %swap3A_17], %while3A_13#3 {strides = array<i32>} : memref<128x56xf32, #tpu.memory_space<vmem>>, vector<128x56xf32>,
    %swap3A_19 = arith.constant 0 : index
    %swap3A_20 = arith.constant 0 : index
    %swap3A_21 = vector.load %arg11[%swap3A_19, %swap3A_20] : memref<128x56xf32, #tpu.memory_space<vmem>>, vector<128x56xf32>
    tpu.vector_store %arg11[%swap3A_19, %swap3A_20], %while3A_13#4 {strides = array<i32>} : memref<128x56xf32, #tpu.memory_space<vmem>>, vector<128x56xf32>,
    %swap3A_22 = arith.constant 0 : index
    %swap3A_23 = arith.constant 0 : index
    %swap3A_24 = vector.load %arg12[%swap3A_22, %swap3A_23] : memref<128x56xf32, #tpu.memory_space<vmem>>, vector<128x56xf32>
    tpu.vector_store %arg12[%swap3A_22, %swap3A_23], %while3A_13#5 {strides = array<i32>} : memref<128x56xf32, #tpu.memory_space<vmem>>, vector<128x56xf32>,
    %swap3A_25 = arith.constant 0 : index
    %swap3A_26 = arith.constant 0 : index
    %swap3A_27 = vector.load %arg13[%swap3A_25, %swap3A_26] : memref<128x56xf32, #tpu.memory_space<vmem>>, vector<128x56xf32>
    tpu.vector_store %arg13[%swap3A_25, %swap3A_26], %while3A_13#6 {strides = array<i32>} : memref<128x56xf32, #tpu.memory_space<vmem>>, vector<128x56xf32>,
    return
  }
}

module attributes {stable_mosaic.version = 14 : i64} {
  func.func @_merge_kernel(%arg0: i32, %arg1: memref<1x1x704xf32, #tpu.memory_space<vmem>>, %arg2: memref<1x704x1xf32, #tpu.memory_space<vmem>>, %arg3: memref<1x704x1xf32, #tpu.memory_space<vmem>>, %arg4: memref<1x704x1xf32, #tpu.memory_space<vmem>>, %arg5: memref<1x704x1xf32, #tpu.memory_space<vmem>>, %arg6: memref<1x704x1xf32, #tpu.memory_space<vmem>>, %arg7: memref<1x704x1xf32, #tpu.memory_space<vmem>>, %arg8: memref<1x6x128xf32, #tpu.memory_space<vmem>>, %arg9: memref<1x1x128xi32, #tpu.memory_space<vmem>>) attributes {dimension_semantics = [#tpu.dimension_semantics<arbitrary>], iteration_bounds = array<i64: 8>, scalar_prefetch = 0 : i64, scratch_operands = 0 : i64, tpu.core_type = #tpu.core_type<tc>, window_params = [{transform_indices = @transform_0, window_bounds = array<i64: 1, 1, 704>}, {transform_indices = @transform_1, window_bounds = array<i64: 1, 704, 1>}, {transform_indices = @transform_2, window_bounds = array<i64: 1, 704, 1>}, {transform_indices = @transform_3, window_bounds = array<i64: 1, 704, 1>}, {transform_indices = @transform_4, window_bounds = array<i64: 1, 704, 1>}, {transform_indices = @transform_5, window_bounds = array<i64: 1, 704, 1>}, {transform_indices = @transform_6, window_bounds = array<i64: 1, 704, 1>}, {transform_indices = @transform_7, window_bounds = array<i64: 1, 6, 128>}, {transform_indices = @transform_8, window_bounds = array<i64: 1, 1, 128>}]} {
    %get3A = arith.constant 0 : index
    %get3A_0 = arith.constant 0 : index
    %get3A_1 = arith.constant 0 : index
    %get3A_2 = vector.load %arg1[%get3A, %get3A_0, %get3A_1] : memref<1x1x704xf32, #tpu.memory_space<vmem>>, vector<1x1x704xf32>
    %get3A_3 = vector.shape_cast %get3A_2 : vector<1x1x704xf32> to vector<1x704xf32>
    %get3A_4 = arith.constant 0 : index
    %get3A_5 = arith.constant 0 : index
    %get3A_6 = arith.constant 0 : index
    %get3A_7 = vector.load %arg2[%get3A_4, %get3A_5, %get3A_6] : memref<1x704x1xf32, #tpu.memory_space<vmem>>, vector<1x704x1xf32>
    %get3A_8 = vector.shape_cast %get3A_7 : vector<1x704x1xf32> to vector<704x1xf32>
    %gt3A = vector.broadcast %get3A_3 : vector<1x704xf32> to vector<704x704xf32>
    %gt3A_9 = vector.broadcast %get3A_8 : vector<704x1xf32> to vector<704x704xf32>
    %gt3A_10 = arith.cmpf ogt, %gt3A, %gt3A_9 : vector<704x704xf32>
    %jit3A = arith.constant 1.000000e+00 : f32
    %jit3A_11 = arith.constant 0.000000e+00 : f32
    %broadcast_in_dim3A = vector.broadcast %jit3A : f32 to vector<704x704xf32>
    %broadcast_in_dim3A_12 = vector.broadcast %jit3A_11 : f32 to vector<704x704xf32>
    %select_n3A = arith.select %gt3A_10, %broadcast_in_dim3A, %broadcast_in_dim3A_12 : vector<704x704xi1>, vector<704x704xf32>
    %iota3A = tpu.iota {dimensions = array<i32: 1>} : vector<704x704xi32>
    %iota3A_13 = tpu.iota {dimensions = array<i32: 0>} : vector<704x704xi32>
    %eq3A = vector.broadcast %get3A_3 : vector<1x704xf32> to vector<704x704xf32>
    %eq3A_14 = vector.broadcast %get3A_8 : vector<704x1xf32> to vector<704x704xf32>
    %eq3A_15 = arith.cmpf oeq, %eq3A, %eq3A_14 : vector<704x704xf32>
    %lt3A = arith.cmpi slt, %iota3A, %iota3A_13 : vector<704x704xi32>
    %and3A = arith.andi %eq3A_15, %lt3A : vector<704x704xi1>
    %jit3A_16 = arith.constant 1.000000e+00 : f32
    %jit3A_17 = arith.constant 0.000000e+00 : f32
    %broadcast_in_dim3A_18 = vector.broadcast %jit3A_16 : f32 to vector<704x704xf32>
    %broadcast_in_dim3A_19 = vector.broadcast %jit3A_17 : f32 to vector<704x704xf32>
    %select_n3A_20 = arith.select %and3A, %broadcast_in_dim3A_18, %broadcast_in_dim3A_19 : vector<704x704xi1>, vector<704x704xf32>
    %add3A = arith.addf %select_n3A, %select_n3A_20 : vector<704x704xf32>
    %reduce_sum3A = arith.constant dense<0.000000e+00> : vector<704xf32>
    %reduce_sum3A_21 = vector.multi_reduction <add>, %add3A, %reduce_sum3A [1] : vector<704x704xf32> to vector<704xf32>
    %broadcast_in_dim3A_22 = vector.shape_cast %reduce_sum3A_21 : vector<704xf32> to vector<704x1xf32>
    %iota3A_23 = tpu.iota {dimensions = array<i32: 1>} : vector<1x128xi32>
    %convert_element_type3A = arith.sitofp %iota3A_23 : vector<1x128xi32> to vector<1x128xf32>
    %eq3A_24 = vector.broadcast %broadcast_in_dim3A_22 : vector<704x1xf32> to vector<704x128xf32>
    %eq3A_25 = vector.broadcast %convert_element_type3A : vector<1x128xf32> to vector<704x128xf32>
    %eq3A_26 = arith.cmpf oeq, %eq3A_24, %eq3A_25 : vector<704x128xf32>
    %jit3A_27 = arith.constant 1.000000e+00 : f32
    %jit3A_28 = arith.constant 0.000000e+00 : f32
    %broadcast_in_dim3A_29 = vector.broadcast %jit3A_27 : f32 to vector<704x128xf32>
    %broadcast_in_dim3A_30 = vector.broadcast %jit3A_28 : f32 to vector<704x128xf32>
    %select_n3A_31 = arith.select %eq3A_26, %broadcast_in_dim3A_29, %broadcast_in_dim3A_30 : vector<704x128xi1>, vector<704x128xf32>
    %get3A_32 = arith.constant 0 : index
    %get3A_33 = arith.constant 0 : index
    %get3A_34 = arith.constant 0 : index
    %get3A_35 = vector.load %arg2[%get3A_32, %get3A_33, %get3A_34] : memref<1x704x1xf32, #tpu.memory_space<vmem>>, vector<1x704x1xf32>
    %get3A_36 = vector.shape_cast %get3A_35 : vector<1x704x1xf32> to vector<704x1xf32>
    %mul3A = vector.broadcast %get3A_36 : vector<704x1xf32> to vector<704x128xf32>
    %mul3A_37 = arith.mulf %select_n3A_31, %mul3A : vector<704x128xf32>
    %reduce_sum3A_38 = arith.constant dense<0.000000e+00> : vector<128xf32>
    %reduce_sum3A_39 = vector.multi_reduction <add>, %mul3A_37, %reduce_sum3A_38 [0] : vector<704x128xf32> to vector<128xf32>
    %broadcast_in_dim3A_40 = vector.shape_cast %reduce_sum3A_39 : vector<128xf32> to vector<1x128xf32>
    %swap3A = arith.constant 0 : index
    %swap3A_41 = arith.constant 0 : index
    %swap3A_42 = arith.constant 0 : index
    %swap3A_43 = vector.load %arg8[%swap3A, %swap3A_41, %swap3A_42] : memref<1x6x128xf32, #tpu.memory_space<vmem>>, vector<1x1x128xf32>
    %swap3A_44 = vector.shape_cast %swap3A_43 : vector<1x1x128xf32> to vector<1x128xf32>
    %swap3A_45 = vector.shape_cast %broadcast_in_dim3A_40 : vector<1x128xf32> to vector<1x1x128xf32>
    tpu.vector_store %arg8[%swap3A, %swap3A_41, %swap3A_42], %swap3A_45 {strides = array<i32>} : memref<1x6x128xf32, #tpu.memory_space<vmem>>, vector<1x1x128xf32>,
    %get3A_46 = arith.constant 0 : index
    %get3A_47 = arith.constant 0 : index
    %get3A_48 = arith.constant 0 : index
    %get3A_49 = vector.load %arg3[%get3A_46, %get3A_47, %get3A_48] : memref<1x704x1xf32, #tpu.memory_space<vmem>>, vector<1x704x1xf32>
    %get3A_50 = vector.shape_cast %get3A_49 : vector<1x704x1xf32> to vector<704x1xf32>
    %mul3A_51 = vector.broadcast %get3A_50 : vector<704x1xf32> to vector<704x128xf32>
    %mul3A_52 = arith.mulf %select_n3A_31, %mul3A_51 : vector<704x128xf32>
    %reduce_sum3A_53 = arith.constant dense<0.000000e+00> : vector<128xf32>
    %reduce_sum3A_54 = vector.multi_reduction <add>, %mul3A_52, %reduce_sum3A_53 [0] : vector<704x128xf32> to vector<128xf32>
    %broadcast_in_dim3A_55 = vector.shape_cast %reduce_sum3A_54 : vector<128xf32> to vector<1x128xf32>
    %swap3A_56 = arith.constant 0 : index
    %swap3A_57 = arith.constant 1 : index
    %swap3A_58 = arith.constant 0 : index
    %swap3A_59 = vector.load %arg8[%swap3A_56, %swap3A_57, %swap3A_58] : memref<1x6x128xf32, #tpu.memory_space<vmem>>, vector<1x1x128xf32>
    %swap3A_60 = vector.shape_cast %swap3A_59 : vector<1x1x128xf32> to vector<1x128xf32>
    %swap3A_61 = vector.shape_cast %broadcast_in_dim3A_55 : vector<1x128xf32> to vector<1x1x128xf32>
    tpu.vector_store %arg8[%swap3A_56, %swap3A_57, %swap3A_58], %swap3A_61 {strides = array<i32>} : memref<1x6x128xf32, #tpu.memory_space<vmem>>, vector<1x1x128xf32>,
    %get3A_62 = arith.constant 0 : index
    %get3A_63 = arith.constant 0 : index
    %get3A_64 = arith.constant 0 : index
    %get3A_65 = vector.load %arg4[%get3A_62, %get3A_63, %get3A_64] : memref<1x704x1xf32, #tpu.memory_space<vmem>>, vector<1x704x1xf32>
    %get3A_66 = vector.shape_cast %get3A_65 : vector<1x704x1xf32> to vector<704x1xf32>
    %mul3A_67 = vector.broadcast %get3A_66 : vector<704x1xf32> to vector<704x128xf32>
    %mul3A_68 = arith.mulf %select_n3A_31, %mul3A_67 : vector<704x128xf32>
    %reduce_sum3A_69 = arith.constant dense<0.000000e+00> : vector<128xf32>
    %reduce_sum3A_70 = vector.multi_reduction <add>, %mul3A_68, %reduce_sum3A_69 [0] : vector<704x128xf32> to vector<128xf32>
    %broadcast_in_dim3A_71 = vector.shape_cast %reduce_sum3A_70 : vector<128xf32> to vector<1x128xf32>
    %swap3A_72 = arith.constant 0 : index
    %swap3A_73 = arith.constant 2 : index
    %swap3A_74 = arith.constant 0 : index
    %swap3A_75 = vector.load %arg8[%swap3A_72, %swap3A_73, %swap3A_74] : memref<1x6x128xf32, #tpu.memory_space<vmem>>, vector<1x1x128xf32>
    %swap3A_76 = vector.shape_cast %swap3A_75 : vector<1x1x128xf32> to vector<1x128xf32>
    %swap3A_77 = vector.shape_cast %broadcast_in_dim3A_71 : vector<1x128xf32> to vector<1x1x128xf32>
    tpu.vector_store %arg8[%swap3A_72, %swap3A_73, %swap3A_74], %swap3A_77 {strides = array<i32>} : memref<1x6x128xf32, #tpu.memory_space<vmem>>, vector<1x1x128xf32>,
    %get3A_78 = arith.constant 0 : index
    %get3A_79 = arith.constant 0 : index
    %get3A_80 = arith.constant 0 : index
    %get3A_81 = vector.load %arg5[%get3A_78, %get3A_79, %get3A_80] : memref<1x704x1xf32, #tpu.memory_space<vmem>>, vector<1x704x1xf32>
    %get3A_82 = vector.shape_cast %get3A_81 : vector<1x704x1xf32> to vector<704x1xf32>
    %mul3A_83 = vector.broadcast %get3A_82 : vector<704x1xf32> to vector<704x128xf32>
    %mul3A_84 = arith.mulf %select_n3A_31, %mul3A_83 : vector<704x128xf32>
    %reduce_sum3A_85 = arith.constant dense<0.000000e+00> : vector<128xf32>
    %reduce_sum3A_86 = vector.multi_reduction <add>, %mul3A_84, %reduce_sum3A_85 [0] : vector<704x128xf32> to vector<128xf32>
    %broadcast_in_dim3A_87 = vector.shape_cast %reduce_sum3A_86 : vector<128xf32> to vector<1x128xf32>
    %swap3A_88 = arith.constant 0 : index
    %swap3A_89 = arith.constant 3 : index
    %swap3A_90 = arith.constant 0 : index
    %swap3A_91 = vector.load %arg8[%swap3A_88, %swap3A_89, %swap3A_90] : memref<1x6x128xf32, #tpu.memory_space<vmem>>, vector<1x1x128xf32>
    %swap3A_92 = vector.shape_cast %swap3A_91 : vector<1x1x128xf32> to vector<1x128xf32>
    %swap3A_93 = vector.shape_cast %broadcast_in_dim3A_87 : vector<1x128xf32> to vector<1x1x128xf32>
    tpu.vector_store %arg8[%swap3A_88, %swap3A_89, %swap3A_90], %swap3A_93 {strides = array<i32>} : memref<1x6x128xf32, #tpu.memory_space<vmem>>, vector<1x1x128xf32>,
    %get3A_94 = arith.constant 0 : index
    %get3A_95 = arith.constant 0 : index
    %get3A_96 = arith.constant 0 : index
    %get3A_97 = vector.load %arg6[%get3A_94, %get3A_95, %get3A_96] : memref<1x704x1xf32, #tpu.memory_space<vmem>>, vector<1x704x1xf32>
    %get3A_98 = vector.shape_cast %get3A_97 : vector<1x704x1xf32> to vector<704x1xf32>
    %mul3A_99 = vector.broadcast %get3A_98 : vector<704x1xf32> to vector<704x128xf32>
    %mul3A_100 = arith.mulf %select_n3A_31, %mul3A_99 : vector<704x128xf32>
    %reduce_sum3A_101 = arith.constant dense<0.000000e+00> : vector<128xf32>
    %reduce_sum3A_102 = vector.multi_reduction <add>, %mul3A_100, %reduce_sum3A_101 [0] : vector<704x128xf32> to vector<128xf32>
    %broadcast_in_dim3A_103 = vector.shape_cast %reduce_sum3A_102 : vector<128xf32> to vector<1x128xf32>
    %swap3A_104 = arith.constant 0 : index
    %swap3A_105 = arith.constant 4 : index
    %swap3A_106 = arith.constant 0 : index
    %swap3A_107 = vector.load %arg8[%swap3A_104, %swap3A_105, %swap3A_106] : memref<1x6x128xf32, #tpu.memory_space<vmem>>, vector<1x1x128xf32>
    %swap3A_108 = vector.shape_cast %swap3A_107 : vector<1x1x128xf32> to vector<1x128xf32>
    %swap3A_109 = vector.shape_cast %broadcast_in_dim3A_103 : vector<1x128xf32> to vector<1x1x128xf32>
    tpu.vector_store %arg8[%swap3A_104, %swap3A_105, %swap3A_106], %swap3A_109 {strides = array<i32>} : memref<1x6x128xf32, #tpu.memory_space<vmem>>, vector<1x1x128xf32>,
    %get3A_110 = arith.constant 0 : index
    %get3A_111 = arith.constant 0 : index
    %get3A_112 = arith.constant 0 : index
    %get3A_113 = vector.load %arg7[%get3A_110, %get3A_111, %get3A_112] : memref<1x704x1xf32, #tpu.memory_space<vmem>>, vector<1x704x1xf32>
    %get3A_114 = vector.shape_cast %get3A_113 : vector<1x704x1xf32> to vector<704x1xf32>
    %mul3A_115 = vector.broadcast %get3A_114 : vector<704x1xf32> to vector<704x128xf32>
    %mul3A_116 = arith.mulf %select_n3A_31, %mul3A_115 : vector<704x128xf32>
    %reduce_sum3A_117 = arith.constant dense<0.000000e+00> : vector<128xf32>
    %reduce_sum3A_118 = vector.multi_reduction <add>, %mul3A_116, %reduce_sum3A_117 [0] : vector<704x128xf32> to vector<128xf32>
    %broadcast_in_dim3A_119 = vector.shape_cast %reduce_sum3A_118 : vector<128xf32> to vector<1x128xf32>
    %swap3A_120 = arith.constant 0 : index
    %swap3A_121 = arith.constant 5 : index
    %swap3A_122 = arith.constant 0 : index
    %swap3A_123 = vector.load %arg8[%swap3A_120, %swap3A_121, %swap3A_122] : memref<1x6x128xf32, #tpu.memory_space<vmem>>, vector<1x1x128xf32>
    %swap3A_124 = vector.shape_cast %swap3A_123 : vector<1x1x128xf32> to vector<1x128xf32>
    %swap3A_125 = vector.shape_cast %broadcast_in_dim3A_119 : vector<1x128xf32> to vector<1x1x128xf32>
    tpu.vector_store %arg8[%swap3A_120, %swap3A_121, %swap3A_122], %swap3A_125 {strides = array<i32>} : memref<1x6x128xf32, #tpu.memory_space<vmem>>, vector<1x1x128xf32>,
    %gt3A_126 = arith.constant -1.000000e+00 : f32
    %gt3A_127 = vector.broadcast %gt3A_126 : f32 to vector<1x128xf32>
    %gt3A_128 = arith.cmpf ogt, %broadcast_in_dim3A_40, %gt3A_127 : vector<1x128xf32>
    %lt3A_129 = arith.constant 1.000000e+02 : f32
    %lt3A_130 = vector.broadcast %lt3A_129 : f32 to vector<1x128xf32>
    %lt3A_131 = arith.cmpf olt, %convert_element_type3A, %lt3A_130 : vector<1x128xf32>
    %and3A_132 = arith.andi %gt3A_128, %lt3A_131 : vector<1x128xi1>
    %jit3A_133 = arith.constant 1.000000e+00 : f32
    %jit3A_134 = arith.constant 0.000000e+00 : f32
    %broadcast_in_dim3A_135 = vector.broadcast %jit3A_133 : f32 to vector<1x128xf32>
    %broadcast_in_dim3A_136 = vector.broadcast %jit3A_134 : f32 to vector<1x128xf32>
    %select_n3A_137 = arith.select %and3A_132, %broadcast_in_dim3A_135, %broadcast_in_dim3A_136 : vector<1x128xi1>, vector<1x128xf32>
    %reduce_sum3A_138 = arith.constant dense<0.000000e+00> : vector<1xf32>
    %reduce_sum3A_139 = vector.multi_reduction <add>, %select_n3A_137, %reduce_sum3A_138 [1] : vector<1x128xf32> to vector<1xf32>
    %broadcast_in_dim3A_140 = vector.shape_cast %reduce_sum3A_139 : vector<1xf32> to vector<1x1xf32>
    %broadcast_in_dim3A_141 = vector.shape_cast %broadcast_in_dim3A_140 : vector<1x1xf32> to vector<1x1xf32>
    %broadcast_in_dim3A_142 = vector.broadcast %broadcast_in_dim3A_141 : vector<1x1xf32> to vector<1x128xf32>
    %convert_element_type3A_143 = arith.fptosi %broadcast_in_dim3A_142 : vector<1x128xf32> to vector<1x128xi32>
    %swap3A_144 = arith.constant 0 : index
    %swap3A_145 = arith.constant 0 : index
    %swap3A_146 = arith.constant 0 : index
    %swap3A_147 = vector.load %arg9[%swap3A_144, %swap3A_145, %swap3A_146] : memref<1x1x128xi32, #tpu.memory_space<vmem>>, vector<1x1x128xi32>
    %swap3A_148 = vector.shape_cast %swap3A_147 : vector<1x1x128xi32> to vector<1x128xi32>
    %swap3A_149 = vector.shape_cast %convert_element_type3A_143 : vector<1x128xi32> to vector<1x1x128xi32>
    tpu.vector_store %arg9[%swap3A_144, %swap3A_145, %swap3A_146], %swap3A_149 {strides = array<i32>} : memref<1x1x128xi32, #tpu.memory_space<vmem>>, vector<1x1x128xi32>,
    return
  }
  func.func @transform_0(%arg0: i32) -> (i32, i32, i32) {
    %c0_i32 = arith.constant 0 : i32
    %c0_i32_0 = arith.constant 0 : i32
    %c0_i32_1 = arith.constant 0 : i32
    return %arg0, %c0_i32, %c0_i32_0 : i32, i32, i32
  }
  func.func @transform_1(%arg0: i32) -> (i32, i32, i32) {
    %c0_i32 = arith.constant 0 : i32
    %c0_i32_0 = arith.constant 0 : i32
    %c0_i32_1 = arith.constant 0 : i32
    return %arg0, %c0_i32, %c0_i32_0 : i32, i32, i32
  }
  func.func @transform_2(%arg0: i32) -> (i32, i32, i32) {
    %c0_i32 = arith.constant 0 : i32
    %c0_i32_0 = arith.constant 0 : i32
    %c0_i32_1 = arith.constant 0 : i32
    return %arg0, %c0_i32, %c0_i32_0 : i32, i32, i32
  }
  func.func @transform_3(%arg0: i32) -> (i32, i32, i32) {
    %c0_i32 = arith.constant 0 : i32
    %c0_i32_0 = arith.constant 0 : i32
    %c0_i32_1 = arith.constant 0 : i32
    return %arg0, %c0_i32, %c0_i32_0 : i32, i32, i32
  }
  func.func @transform_4(%arg0: i32) -> (i32, i32, i32) {
    %c0_i32 = arith.constant 0 : i32
    %c0_i32_0 = arith.constant 0 : i32
    %c0_i32_1 = arith.constant 0 : i32
    return %arg0, %c0_i32, %c0_i32_0 : i32, i32, i32
  }
  func.func @transform_5(%arg0: i32) -> (i32, i32, i32) {
    %c0_i32 = arith.constant 0 : i32
    %c0_i32_0 = arith.constant 0 : i32
    %c0_i32_1 = arith.constant 0 : i32
    return %arg0, %c0_i32, %c0_i32_0 : i32, i32, i32
  }
  func.func @transform_6(%arg0: i32) -> (i32, i32, i32) {
    %c0_i32 = arith.constant 0 : i32
    %c0_i32_0 = arith.constant 0 : i32
    %c0_i32_1 = arith.constant 0 : i32
    return %arg0, %c0_i32, %c0_i32_0 : i32, i32, i32
  }
  func.func @transform_7(%arg0: i32) -> (i32, i32, i32) {
    %c0_i32 = arith.constant 0 : i32
    %c0_i32_0 = arith.constant 0 : i32
    %c0_i32_1 = arith.constant 0 : i32
    return %arg0, %c0_i32, %c0_i32_0 : i32, i32, i32
  }
  func.func @transform_8(%arg0: i32) -> (i32, i32, i32) {
    %c0_i32 = arith.constant 0 : i32
    %c0_i32_0 = arith.constant 0 : i32
    %c0_i32_1 = arith.constant 0 : i32
    return %arg0, %c0_i32, %c0_i32_0 : i32, i32, i32
  }
}

</mosaic_0001>

<sc_bundles>
// kernel: kernel.6.cloned.1.call-start
scs
__scs_entry_jumppad:
0x0: {  	(pc) =	sbr.rel $0x88, $3  }
0x1: {  	(tag) =	ssettag $0x0;
	lr =	simm.s32 $0x1  }
0x2: {  	[smem:$0x3F9D] =	sst lr;
	_ =	strace $0xD0000000  }
0x3: {  	_ = 	snop  }
0x4: {  	_ = 	snop  }
0x5: {  	_ = 	snop  }
0x6: {  	_ = 	snop  }
0x7: {  	_ = 	snop  }
__scs_overlays_trampoline_lowered:
0x8: {  	[smem:$0x3FAC] =	sst s0  }
0x9: {  	[smem:$0x3FAD] =	sst s1  }
0xa: {  	[smem:$0x3FAE] =	sst s2  }
0xb: {  	[smem:$0x3FAF] =	sst s3  }
0xc: {  	[smem:$0x3FB0] =	sst s4  }
0xd: {  	[smem:$0x3FB1] =	sst s5  }
0xe: {  	[smem:$0x3FB2] =	sst s6  }
0xf: {  	[smem:$0x3FB3] =	sst s7  }
0x10: {  	[smem:$0x3FB4] =	sst s8  }
0x11: {  	[smem:$0x3FB5] =	sst s9;
	s0 =	simm.s32 @!p0 $0x0  }
0x12: {  	s1 =	sld [smem:$0x3F9B];
	s0 =	simm.s32 @p0 $0x1  }
0x13: {  	[smem:$0x3FB6] =	sst s0;
	s0 =	simm.s32 @!p1 $0x0  }
0x14: {  	s2 =	sld [smem:$0x3F9A];
	s0 =	simm.s32 @p1 $0x1  }
0x15: {  	[smem:$0x3FB7] =	sst s0;
	s0 =	simm.s32 @!p2 $0x0  }
0x16: {  	s3 =	sld [smem:$0x3FDB];
	s0 =	simm.s32 @p2 $0x1  }
0x17: {  	s4 =	simm.s32 $0x1BF5;
	[smem:$0x3FB9] =	sst s0  }
0x18: {  	s0 =	sld [smem:$0x3F9C];
	_ =	swait.ge [sflag:s4], $0x0  }
0x19: {  	s7 =	sld [smem:$0x3F9D]  }
0x1a: {  	s8 =	sadd.s32 $0xFFFFE003, lr  }
0x1b: {  	s9 =	sadd.s32 $0xFFFFFEF7, lr;
	s5 =	simm.s32 $0xFFFFFFFF;
	p2 =	slt.u32 s8, $0xFFFFF086  }
0x1c: {  	p1 =	slt.u32 s9, $0xF7A;
	s5 =	simm.s32 @!p2 $0x0  }
0x1d: {  	s5 =	simm.s32 @p1 $0x1;
	p0 =	seq.s32 s7, s2  }
0x1e: {  	s7 =	smul.u32 @!p0 $0xF7A, s2;
	p2 =	seq.s32 @!p0 s5, $0x0  }
0x1f: {  	s9 =	smul.u32 $0xF7A, s1;
	s8 =	simm.s32 @!p0 $0x1BF5;
	p2 =	por !p2, p0  }
0x20: {  	[sflag:s8] =	ssyncset.s32 @!p0 $0xFFFFF086;
	s6 =	sadd.s32 @!p0 s3, s7;
	s7 =	simm.s32 @!p0 $0x108  }
0x21: {  	s3 =	sadd.s32 s3, s9;
	s6 =	sadd.s32 @!p0 $0x88, s6;
	s7 =	simm.s32 @p2 $0x1082  }
0x22: {  	[simem:s7], [sflag:s8] =	dma.local @!p0 [hbm:s6], $0xF7A  }
0x23: {  	s9 =	sor.u32 $0xD0000000, s2;
	s6 =	simm.s32 $0x108;
	_ =	swait.ge @!p0 [sflag:s8], $0x0  }
0x24: {  	s3 =	sadd.s32 $0x88, s3;
	s6 =	simm.s32 @!p1 $0x1082;
	[sflag:s4] =	ssyncset.s32 $0xFFFFF086  }
0x25: {  	[simem:s6], [sflag:s4] =	dma.local [hbm:s3], $0xF7A  }
0x26: {  	[smem:$0x3F9D] =	sst s1;
	(tag) =	ssettag s2;
	_ =	strace s9  }
0x27: {  	s1 =	sld [smem:$0x3FAD]  }
0x28: {  	s2 =	sld [smem:$0x3FAE]  }
0x29: {  	s4 =	sld [smem:$0x3FB0]  }
0x2a: {  	p0 =	seq.s32 s5, $0x0;
	s5 =	sld [smem:$0x3FB1]  }
0x2b: {  	s6 =	sld [smem:$0x3FB2]  }
0x2c: {  	s7 =	sld [smem:$0x3FB3]  }
0x2d: {  	s3 =	simm.s32 $0x108;
	s8 =	sld [smem:$0x3FB4]  }
0x2e: {  	s3 =	simm.s32 @!p0 $0x1082;
	s9 =	sld [smem:$0x3FB5]  }
0x2f: {  	lr =	sadd.s32 s0, s3;
	s0 =	sld [smem:$0x3FAC]  }
0x30: {  	s3 =	sld [smem:$0x3FAF]  }
0x31: {  	[smem:$0x3FB8] =	sst s10  }
0x32: {  	s10 =	sld [smem:$0x3FB6];
	_ =	sdelay $0x3  }
0x33: {  	p0 =	seq.s32 s10, $0x1;
	s10 =	sld [smem:$0x3FB8];
	_ =	sdelay $0x3  }
0x34: {  	[smem:$0x3FB8] =	sst s10  }
0x35: {  	s10 =	sld [smem:$0x3FB7];
	_ =	sdelay $0x3  }
0x36: {  	p1 =	seq.s32 s10, $0x1;
	s10 =	sld [smem:$0x3FB8];
	_ =	sdelay $0x3  }
0x37: {  	[smem:$0x3FB8] =	sst s10  }
0x38: {  	s10 =	sld [smem:$0x3FB9]  }
0x39: {  	_ = 	snop;
	(pc) =	sbr.ind lr, $3  }
0x3a: {  	_ = 	snop  }
0x3b: {  	_ = 	snop  }
0x3c: {  	p2 =	seq.s32 s10, $0x1;
	s10 =	sld [smem:$0x3FB8]  }
0x3d: {  	_ =	shalt  }
0x3e: {  	_ =	shalt  }
0x3f: {  	_ =	shalt  }
0x40: {  	_ =	shalt  }
0x41: {  	_ =	shalt  }
0x42: {  	_ =	shalt  }
0x43: {  	_ =	shalt  }
0x44: {  	_ =	shalt  }
0x45: {  	_ =	shalt  }
0x46: {  	_ =	shalt  }
0x47: {  	_ =	shalt  }
0x48: {  	_ =	shalt  }
0x49: {  	_ =	shalt  }
0x4a: {  	_ =	shalt  }
0x4b: {  	_ =	shalt  }
0x4c: {  	_ =	shalt  }
0x4d: {  	_ =	shalt  }
0x4e: {  	_ =	shalt  }
0x4f: {  	_ =	shalt  }
0x50: {  	_ =	shalt  }
0x51: {  	_ =	shalt  }
0x52: {  	_ =	shalt  }
0x53: {  	_ =	shalt  }
0x54: {  	_ =	shalt  }
0x55: {  	_ =	shalt  }
0x56: {  	_ =	shalt  }
0x57: {  	_ =	shalt  }
0x58: {  	_ =	shalt  }
0x59: {  	_ =	shalt  }
0x5a: {  	_ =	shalt  }
0x5b: {  	_ =	shalt  }
0x5c: {  	_ =	shalt  }
0x5d: {  	_ =	shalt  }
0x5e: {  	_ =	shalt  }
0x5f: {  	_ =	shalt  }
0x60: {  	_ =	shalt  }
0x61: {  	_ =	shalt  }
0x62: {  	_ =	shalt  }
0x63: {  	_ =	shalt  }
0x64: {  	_ =	shalt  }
0x65: {  	_ =	shalt  }
0x66: {  	_ =	shalt  }
0x67: {  	_ =	shalt  }
0x68: {  	_ =	shalt  }
0x69: {  	_ =	shalt  }
0x6a: {  	_ =	shalt  }
0x6b: {  	_ =	shalt  }
0x6c: {  	_ =	shalt  }
0x6d: {  	_ =	shalt  }
0x6e: {  	_ =	shalt  }
0x6f: {  	_ =	shalt  }
0x70: {  	_ =	shalt  }
0x71: {  	_ =	shalt  }
0x72: {  	_ =	shalt  }
0x73: {  	_ =	shalt  }
0x74: {  	_ =	shalt  }
0x75: {  	_ =	shalt  }
0x76: {  	_ =	shalt  }
0x77: {  	_ =	shalt  }
0x78: {  	_ =	shalt  }
0x79: {  	_ =	shalt  }
0x7a: {  	_ =	shalt  }
0x7b: {  	_ =	shalt  }
0x7c: {  	_ =	shalt  }
0x7d: {  	_ =	shalt  }
0x7e: {  	_ =	shalt  }
0x7f: {  	_ =	shalt  }
0x80: {  	_ =	shalt  }
0x81: {  	_ =	shalt  }
0x82: {  	_ =	shalt  }
0x83: {  	_ =	shalt  }
0x84: {  	_ =	shalt  }
0x85: {  	_ =	shalt  }
0x86: {  	_ =	shalt  }
0x87: {  	_ =	shalt  }
.Lfunc_end0:
.L_simem_size_0:
called_computation_lowered:
.L_overlay_start_0:
0x88: {  	s2 =	sld [smem:$0x3FD9]  }
0x89: {  	s3 =	sld [smem:$0x3FFE];
	_ =	sdelay $0x1  }
0x8a: {  	s1 =	srdreg.scid  }
0x8b: {  	s0 =	sand.u32 $0x1, s1  }
0x8c: {  	s16 =	sshll.u32 s0, $0xA;
	s2 =	sadd.s32 s3, s2  }
0x8d: {  	s2 =	sadd.s32 s2, s16  }
0x8e: {  	[smem:$0x3FC4] =	sst s2  }
0x8f: {  	_ = 	snop  }
0x90: {  	(tm) =	ssettm $0x1  }
0x91: {  	s17 =	sld [smem:$0x3FFB];
	_ =	sdelay $0x3  }
0x92: {  	_ =	strace s17  }
0x93: {  	s2 =	sld [smem:$0x3FFC];
	_ =	sdelay $0x3  }
0x94: {  	_ =	strace s2  }
0x95: {  	s2 =	sld [smem:$0x3FFD];
	_ =	sdelay $0x3  }
0x96: {  	_ =	strace s2  }
0x97: {  	_ =	strace $0x8FFFFFFF  }
0x98: {  	s18 =	sld [smem:$0x3FDB];
	_ =	sdelay $0x1  }
0x99: {  	s19 =	simm.s32 $_scs_section_size  }
0x9a: {  	s4 =	simm.s32 $_size__tile_overlayer_lowered;
	s5 =	simm.s32 $_tile_overlayer_lowered  }
0x9b: {  	s22 =	simm.s32 $0x1BFF;
	s21 =	sshll.u32 s5, $0x1;
	s2 =	sadd.s32 s19, s18  }
0x9c: {  	s6 =	simm.s32 $0x0;
	s20 =	sshll.u32 s4, $0x1;
	s4 =	sadd.s32 s21, s2  }
0x9d: {  	[timem:s6], [sflag:s22] =	dma.local [hbm:s4], s20  }
0x9e: {  	_ =	swait.ge [sflag:s22], s20  }
0x9f: {  	s3 =	ssub.s32 $0x0, s20;
	[sflag:s22] =	ssyncset.done $0x0  }
0xa0: {  	[sflag:s22] =	ssyncadd.s32 s3;
	_ =	sdelay $0x1  }
0xa1: {  	s23 =	simm.s32 $0x1B8B  }
0xa2: {  	_ =	swait.ge [sflag:s23], $0x1  }
0xa3: {  	[sflag:s23] =	ssyncset.done $0x0  }
0xa4: {  	s25 =	simm.s32 $0x1B8E;
	s24 =	sld [smem:$0x3FFE];
	[sflag:s23] =	ssyncadd.s32 $0xFFFFFFFF  }
0xa5: {  	s26 =	simm.s32 $execute0_lowered;
	[smem:$0x3FD2] =	sst s25  }
0xa6: {  	s4 =	sshll.u32 s26, $0x1;
	_ =	strace $0x80000046;
	[dreg:$0x1] =	wrdreg $0xFFFFFFFF  }
0xa7: {  	s28 =	simm.s32 $_size_execute0_lowered;
	s2 =	sadd.s32 s2, s4;
	[dreg:$0x0] =	wrdreg $0x0  }
0xa8: {  	s4 =	sshll.u32 s28, $0x1;
	[dreg:$0x2] =	wrdreg s2  }
0xa9: {  	[dreg:$0x3] =	wrdreg s4  }
0xaa: {  	[dreg:$0x4] =	wrdreg $0xC0  }
0xab: {  	_ =	task [dreg:s6], $0x5FFFF  }
0xac: {  	[dreg:$0x1] =	wrdreg $0xFFFFFFFF  }
0xad: {  	[dreg:$0x0] =	wrdreg $0x60  }
0xae: {  	[dreg:$0x2] =	wrdreg s24  }
0xaf: {  	[dreg:$0x3] =	wrdreg $0x9  }
0xb0: {  	_ =	task.clear_ibuf [dreg:s6], $0x4FFFF;
	_ =	strace $0x90000046  }
0xb1: {  	s29 =	simm.s32 $0x9;
	_ =	strace $0x80000048  }
0xb2: {  	_ =	swait.ge [sflag:s29], $0x1  }
0xb3: {  	[sflag:s29] =	ssyncadd.s32 $0xFFFFFFFF  }
0xb4: {  	_ =	strace $0x90000048  }
0xb5: {  	_ =	sfence  }
0xb6: {  	s30 =	sld [smem:$0x0];
	_ =	sdelay $0x2  }
0xb7: {  	s31 =	sshll.u32 s1, $0xD;
	s1 =	sshrl.u32 s1, $0x2  }
0xb8: {  	s3 =	sand.u32 $0x4000, s31;
	s1 =	sadd.s32 s1, s30  }
0xb9: {  	s0 =	sor.u32 s3, s0;
	s1 =	sshll.u32 s1, $0x11  }
0xba: {  	s0 =	sor.u32 s1, s0  }
0xbb: {  	s0 =	sadd.s32 $0x8F2B, s0  }
0xbc: {  	[sflag:s0] =	ssyncadd.remote.s32 $0x1  }
0xbd: {  	_ =	sfence.sel $0xFFFF  }
0xbe: {  	[dreg:$0x0] =	wrdreg $0xFFFFFFFF;
	(pc) =	sbr.abs _section_cstart, $3  }
0xbf: {  	[dreg:$0x1] =	wrdreg $0xFFFFFFFF  }
0xc0: {  	_ =	task.clear_ibuf [dreg:s6], $0x2FFFF;
	_ =	strace $0x9FFFFFFF  }
0xc1: {  	(tm) =	ssettm $0x7FFFFFFF  }
tec
execute0_lowered:
.L_overlay_start_1:
0x0: {  	(tag) =	ssettag $0x1  }
0x1: {  	s2 =	rddreg [dreg:$0x0]  }
0x2: {  	s0 =	rddreg [dreg:$0x1]  }
0x3: {  	s3 =	simm.s32 $0x0;
	s4 =	srdreg.scid;
	s1 =	stileid.u32  }
0x4: {  	[smem:$0x7FF] =	sst s3;
	s4 =	sand.u32 $0x1, s4;
	s5 =	sshll.u32 s1, $0x1  }
0x5: {  	s9 =	sadd.s32 $0x13A00, s2;
	s10 =	sadd.s32 $0x18E00, s2;
	s11 =	sadd.s32 $0x1AA00, s2  }
0x6: {  	s12 =	sadd.s32 $0x15600, s2;
	s13 =	sadd.s32 $0x17200, s2;
	s8 =	sshll.u32 s1, $0x8  }
0x7: {  	p0 =	slt.u32 s1, $0xC;
	_ =	strace $0x80000047;
	s7 =	sor.u32 s4, s5  }
0x8: {  	s4 =	ssub.s32 $0x2, s4;
	s5 =	smul.u32 $0x25, s7;
	s14 =	sshll.u32 s7, $0x4  }
0x9: {  	s6 =	sshrl.u32 s4, $0x1;
	s15 =	sor.u32 $0x20, s7;
	s8 =	sor.u32 s8, s14  }
0xa: {  	s7 =	smov.u32 @p0 s15;
	s29 =	ssub.s32 s4, s6;
	s15 =	simm.s32 $0x80  }
0xb: {  	s5 =	sshrl.u32 s5, $0x8;
	s8 =	sand.u32 $0xC70, s8;
	s16 =	smul.u32 $0x25, s7  }
0xc: {  	s19 =	sshll.u32 s7, $0x7;
	s20 =	sshll.u32 s7, $0x4;
	s14 =	smax.u32 s29, $0x1  }
0xd: {  	s28 =	smul.u32 $0x13880, s5;
	s4 =	sadd.s32 s9, s8;
	s5 =	sadd.s32 s10, s8  }
0xe: {  	s6 =	sadd.s32 s11, s8;
	s7 =	sadd.s32 s12, s8;
	s19 =	sor.u32 s20, s19  }
0xf: {  	s8 =	sadd.s32 s13, s8;
	s20 =	simm.s32 $0x0;
	s16 =	sshrl.u32 s16, $0x8  }
0x10: {  	s19 =	sand.u32 $0xFFFFC70, s19;
	s17 =	sadd.s32 $0x4E20, s28;
	s18 =	sadd.s32 $0x9C40, s28  }
0x11: {  	s16 =	sand.u32 $0xFF, s16;
	s30 =	sadd.s32 $0xEA60, s28;
	s9 =	sadd.s32 s9, s19  }
0x12: {  	s10 =	sadd.s32 s10, s19;
	s11 =	sadd.s32 s11, s19;
	s16 =	smul.u32 $0x13880, s16  }
0x13: {  	s12 =	sadd.s32 s12, s19;
	v0 =	vmov s28;
	s13 =	sadd.s32 s13, s19;
	s19 =	simm.s32 $0x1;
	v1 =	vmov s17  }
0x14: {  	v2 =	vmov s18;
	v3 =	vmov s30;
	s21 =	sadd.s32 $0x4E20, s16;
	s22 =	sadd.s32 $0x9C40, s16;
	s31 =	sadd.s32 $0xEA60, s16;
	v4 =	vmov s16  }
0x15: {  	s17 =	simm.s32 $0x2;
	s18 =	simm.s32 $0x800;
	s16 =	simm.s32 $0x400;
	v5 =	vmov s21;
	v6 =	vmov s22;
	v7 =	vmov s31  }
.LBB2_1:
0x16: {  	[tilespmem:s3], [sflag:$0x2] =	stream.strided.gather [hbm4b:s4+s15], $0x400, s16, s15, $0x38;
	[tilespmem:$0xC00] =	vst v63  }
0x17: {  	_ =	swait.ge [sflag:s17], $0x400  }
0x18: {  	[sflag:s17] =	ssyncset.done $0x0  }
0x19: {  	s21 =	simm.s32 $0x0;
	[sflag:s17] =	ssyncadd.s32 $0xFFFFFC00  }
0x1a: {  	s22 =	simm.s32 $0x40;
	v8 =	vld [tilespmem:s21+$0x0]  }
.LBB2_2:
0x1b: {  	p0 =	sne.s32 s22, $0xFC0  }
.Ltmp0:
0x1c: {  	_ = 	snop;
	(pc) =	sbr.rel @p0 .LBB2_2-.Ltmp0, $3  }
0x1d: {  	_ =	sdelay $0x1  }
0x1e: {  	s23 =	sshra.s32 s22, $0x2;
	s22 =	sadd.s32 $0x40, s22;
	v9 =	vadd.s32 v0, v8  }
0x1f: {  	v8 =	vld [tilespmem:s23+$0x0];
	[tilespmem:s21+$0x400] =	vst v9;
	s21 =	smov.u32 s23  }
0x20: {  	_ =	sdelay $0x3  }
0x21: {  	v8 =	vadd.s32 v0, v8  }
0x22: {  	[tilespmem:s21+$0x400] =	vst v8  }
0x23: {  	[tilespmem:s18], [sflag:$0x1] =	stream.indirect.gather [hbm4b:s2+s16], $0x1, s16, s16, $0xb8;
	[tilespmem:$0xC00] =	vst v63  }
0x24: {  	_ =	swait.ge [sflag:s19], $0x400  }
0x25: {  	[sflag:s19] =	ssyncset.done $0x0  }
0x26: {  	[sflag:s19] =	ssyncadd.s32 $0xFFFFFC00  }
0x27: {  	[hbm4b:s5+s15] =	stream.strided.scatter [tilespmem:s18], [sflag:$0x2], $0x400, s16, s15, $0x38;
	[tilespmem:$0xC00] =	vst v63  }
0x28: {  	_ =	swait.ge [sflag:s17], $0x400  }
0x29: {  	[sflag:s17] =	ssyncset.done $0x0  }
0x2a: {  	s21 =	simm.s32 $0x0;
	[sflag:s17] =	ssyncadd.s32 $0xFFFFFC00  }
0x2b: {  	s22 =	simm.s32 $0x40;
	v8 =	vld [tilespmem:s21+$0x0]  }
.LBB2_4:
0x2c: {  	p0 =	sne.s32 s22, $0xFC0  }
.Ltmp1:
0x2d: {  	_ = 	snop;
	(pc) =	sbr.rel @p0 .LBB2_4-.Ltmp1, $3  }
0x2e: {  	_ =	sdelay $0x1  }
0x2f: {  	s23 =	sshra.s32 s22, $0x2;
	s22 =	sadd.s32 $0x40, s22;
	v9 =	vadd.s32 v1, v8  }
0x30: {  	v8 =	vld [tilespmem:s23+$0x0];
	[tilespmem:s21+$0x400] =	vst v9;
	s21 =	smov.u32 s23  }
0x31: {  	_ =	sdelay $0x3  }
0x32: {  	v8 =	vadd.s32 v1, v8  }
0x33: {  	[tilespmem:s21+$0x400] =	vst v8  }
0x34: {  	[tilespmem:s18], [sflag:$0x1] =	stream.indirect.gather [hbm4b:s2+s16], $0x1, s16, s16, $0xb8;
	[tilespmem:$0xC00] =	vst v63  }
0x35: {  	_ =	swait.ge [sflag:s19], $0x400  }
0x36: {  	[sflag:s19] =	ssyncset.done $0x0  }
0x37: {  	[sflag:s19] =	ssyncadd.s32 $0xFFFFFC00  }
0x38: {  	[hbm4b:s6+s15] =	stream.strided.scatter [tilespmem:s18], [sflag:$0x2], $0x400, s16, s15, $0x38;
	[tilespmem:$0xC00] =	vst v63  }
0x39: {  	_ =	swait.ge [sflag:s17], $0x400  }
0x3a: {  	[sflag:s17] =	ssyncset.done $0x0  }
0x3b: {  	s21 =	simm.s32 $0x0;
	[sflag:s17] =	ssyncadd.s32 $0xFFFFFC00  }
0x3c: {  	s22 =	simm.s32 $0x40;
	v8 =	vld [tilespmem:s21+$0x0]  }
.LBB2_6:
0x3d: {  	p0 =	sne.s32 s22, $0xFC0  }
.Ltmp2:
0x3e: {  	_ = 	snop;
	(pc) =	sbr.rel @p0 .LBB2_6-.Ltmp2, $3  }
0x3f: {  	_ =	sdelay $0x1  }
0x40: {  	s23 =	sshra.s32 s22, $0x2;
	s22 =	sadd.s32 $0x40, s22;
	v9 =	vadd.s32 v2, v8  }
0x41: {  	v8 =	vld [tilespmem:s23+$0x0];
	[tilespmem:s21+$0x400] =	vst v9;
	s21 =	smov.u32 s23  }
0x42: {  	_ =	sdelay $0x3  }
0x43: {  	v8 =	vadd.s32 v2, v8  }
0x44: {  	[tilespmem:s21+$0x400] =	vst v8  }
0x45: {  	[tilespmem:s18], [sflag:$0x1] =	stream.indirect.gather [hbm4b:s2+s16], $0x1, s16, s16, $0xb8;
	[tilespmem:$0xC00] =	vst v63  }
0x46: {  	_ =	swait.ge [sflag:s19], $0x400  }
0x47: {  	[sflag:s19] =	ssyncset.done $0x0  }
0x48: {  	[sflag:s19] =	ssyncadd.s32 $0xFFFFFC00  }
0x49: {  	[hbm4b:s7+s15] =	stream.strided.scatter [tilespmem:s18], [sflag:$0x2], $0x400, s16, s15, $0x38;
	[tilespmem:$0xC00] =	vst v63  }
0x4a: {  	_ =	swait.ge [sflag:s17], $0x400  }
0x4b: {  	[sflag:s17] =	ssyncset.done $0x0  }
0x4c: {  	s21 =	simm.s32 $0x0;
	[sflag:s17] =	ssyncadd.s32 $0xFFFFFC00  }
0x4d: {  	s22 =	simm.s32 $0x40;
	v8 =	vld [tilespmem:s21+$0x0]  }
.LBB2_8:
0x4e: {  	p0 =	sne.s32 s22, $0xFC0  }
.Ltmp3:
0x4f: {  	_ = 	snop;
	(pc) =	sbr.rel @p0 .LBB2_8-.Ltmp3, $3  }
0x50: {  	_ =	sdelay $0x1  }
0x51: {  	s23 =	sshra.s32 s22, $0x2;
	s22 =	sadd.s32 $0x40, s22;
	v9 =	vadd.s32 v3, v8  }
0x52: {  	v8 =	vld [tilespmem:s23+$0x0];
	[tilespmem:s21+$0x400] =	vst v9;
	s21 =	smov.u32 s23  }
0x53: {  	_ =	sdelay $0x3  }
0x54: {  	v8 =	vadd.s32 v3, v8  }
0x55: {  	[tilespmem:s21+$0x400] =	vst v8  }
0x56: {  	[tilespmem:s18], [sflag:$0x1] =	stream.indirect.gather [hbm4b:s2+s16], $0x1, s16, s16, $0xb8;
	[tilespmem:$0xC00] =	vst v63  }
0x57: {  	_ =	swait.ge [sflag:s19], $0x400  }
0x58: {  	[sflag:s19] =	ssyncset.done $0x0  }
0x59: {  	[sflag:s19] =	ssyncadd.s32 $0xFFFFFC00  }
0x5a: {  	[hbm4b:s8+s15] =	stream.strided.scatter [tilespmem:s18], [sflag:$0x2], $0x400, s16, s15, $0x38;
	[tilespmem:$0xC00] =	vst v63  }
0x5b: {  	_ =	swait.ge [sflag:s17], $0x400  }
0x5c: {  	[sflag:s17] =	ssyncset.done $0x0  }
0x5d: {  	s31 =	simm.s32 $0x0;
	[sflag:s17] =	ssyncadd.s32 $0xFFFFFC00  }
0x5e: {  	[tilespmem:s31], [sflag:$0x2] =	stream.strided.gather [hbm4b:s9+s15], $0x400, s16, s15, $0x38;
	[tilespmem:$0xC00] =	vst v63  }
0x5f: {  	_ =	swait.ge [sflag:s17], $0x400  }
0x60: {  	[sflag:s17] =	ssyncset.done $0x0  }
0x61: {  	s21 =	simm.s32 $0x0;
	[sflag:s17] =	ssyncadd.s32 $0xFFFFFC00  }
0x62: {  	s22 =	simm.s32 $0x40;
	v8 =	vld [tilespmem:s21+$0x0]  }
.LBB2_10:
0x63: {  	p0 =	sne.s32 s22, $0xFC0  }
.Ltmp4:
0x64: {  	_ = 	snop;
	(pc) =	sbr.rel @p0 .LBB2_10-.Ltmp4, $3  }
0x65: {  	_ =	sdelay $0x1  }
0x66: {  	s23 =	sshra.s32 s22, $0x2;
	s22 =	sadd.s32 $0x40, s22;
	v9 =	vadd.s32 v4, v8  }
0x67: {  	v8 =	vld [tilespmem:s23+$0x0];
	[tilespmem:s21+$0x400] =	vst v9;
	s21 =	smov.u32 s23  }
0x68: {  	_ =	sdelay $0x3  }
0x69: {  	v8 =	vadd.s32 v4, v8  }
0x6a: {  	[tilespmem:s21+$0x400] =	vst v8  }
0x6b: {  	[tilespmem:s18], [sflag:$0x1] =	stream.indirect.gather [hbm4b:s2+s16], $0x1, s16, s16, $0xb8;
	[tilespmem:$0xC00] =	vst v63  }
0x6c: {  	_ =	swait.ge [sflag:s19], $0x400  }
0x6d: {  	[sflag:s19] =	ssyncset.done $0x0  }
0x6e: {  	[sflag:s19] =	ssyncadd.s32 $0xFFFFFC00  }
0x6f: {  	[hbm4b:s10+s15] =	stream.strided.scatter [tilespmem:s18], [sflag:$0x2], $0x400, s16, s15, $0x38;
	[tilespmem:$0xC00] =	vst v63  }
0x70: {  	_ =	swait.ge [sflag:s17], $0x400  }
0x71: {  	[sflag:s17] =	ssyncset.done $0x0  }
0x72: {  	s21 =	simm.s32 $0x0;
	[sflag:s17] =	ssyncadd.s32 $0xFFFFFC00  }
0x73: {  	s22 =	simm.s32 $0x40;
	v8 =	vld [tilespmem:s21+$0x0]  }
.LBB2_12:
0x74: {  	p0 =	sne.s32 s22, $0xFC0  }
.Ltmp5:
0x75: {  	_ = 	snop;
	(pc) =	sbr.rel @p0 .LBB2_12-.Ltmp5, $3  }
0x76: {  	_ =	sdelay $0x1  }
0x77: {  	s23 =	sshra.s32 s22, $0x2;
	s22 =	sadd.s32 $0x40, s22;
	v9 =	vadd.s32 v5, v8  }
0x78: {  	v8 =	vld [tilespmem:s23+$0x0];
	[tilespmem:s21+$0x400] =	vst v9;
	s21 =	smov.u32 s23  }
0x79: {  	_ =	sdelay $0x3  }
0x7a: {  	v8 =	vadd.s32 v5, v8  }
0x7b: {  	[tilespmem:s21+$0x400] =	vst v8  }
0x7c: {  	[tilespmem:s18], [sflag:$0x1] =	stream.indirect.gather [hbm4b:s2+s16], $0x1, s16, s16, $0xb8;
	[tilespmem:$0xC00] =	vst v63  }
0x7d: {  	_ =	swait.ge [sflag:s19], $0x400  }
0x7e: {  	[sflag:s19] =	ssyncset.done $0x0  }
0x7f: {  	[sflag:s19] =	ssyncadd.s32 $0xFFFFFC00  }
0x80: {  	[hbm4b:s11+s15] =	stream.strided.scatter [tilespmem:s18], [sflag:$0x2], $0x400, s16, s15, $0x38;
	[tilespmem:$0xC00] =	vst v63  }
0x81: {  	_ =	swait.ge [sflag:s17], $0x400  }
0x82: {  	[sflag:s17] =	ssyncset.done $0x0  }
0x83: {  	s21 =	simm.s32 $0x0;
	[sflag:s17] =	ssyncadd.s32 $0xFFFFFC00  }
0x84: {  	s22 =	simm.s32 $0x40;
	v8 =	vld [tilespmem:s21+$0x0]  }
.LBB2_14:
0x85: {  	p0 =	sne.s32 s22, $0xFC0  }
.Ltmp6:
0x86: {  	_ = 	snop;
	(pc) =	sbr.rel @p0 .LBB2_14-.Ltmp6, $3  }
0x87: {  	_ =	sdelay $0x1  }
0x88: {  	s23 =	sshra.s32 s22, $0x2;
	s22 =	sadd.s32 $0x40, s22;
	v9 =	vadd.s32 v6, v8  }
0x89: {  	v8 =	vld [tilespmem:s23+$0x0];
	[tilespmem:s21+$0x400] =	vst v9;
	s21 =	smov.u32 s23  }
0x8a: {  	_ =	sdelay $0x3  }
0x8b: {  	v8 =	vadd.s32 v6, v8  }
0x8c: {  	[tilespmem:s21+$0x400] =	vst v8  }
0x8d: {  	[tilespmem:s18], [sflag:$0x1] =	stream.indirect.gather [hbm4b:s2+s16], $0x1, s16, s16, $0xb8;
	[tilespmem:$0xC00] =	vst v63  }
0x8e: {  	_ =	swait.ge [sflag:s19], $0x400  }
0x8f: {  	[sflag:s19] =	ssyncset.done $0x0  }
0x90: {  	[sflag:s19] =	ssyncadd.s32 $0xFFFFFC00  }
0x91: {  	[hbm4b:s12+s15] =	stream.strided.scatter [tilespmem:s18], [sflag:$0x2], $0x400, s16, s15, $0x38;
	[tilespmem:$0xC00] =	vst v63  }
0x92: {  	_ =	swait.ge [sflag:s17], $0x400  }
0x93: {  	[sflag:s17] =	ssyncset.done $0x0  }
0x94: {  	s21 =	simm.s32 $0x0;
	[sflag:s17] =	ssyncadd.s32 $0xFFFFFC00  }
0x95: {  	s22 =	simm.s32 $0x40;
	v8 =	vld [tilespmem:s21+$0x0]  }
.LBB2_16:
0x96: {  	p0 =	sne.s32 s22, $0xFC0  }
.Ltmp7:
0x97: {  	_ = 	snop;
	(pc) =	sbr.rel @p0 .LBB2_16-.Ltmp7, $3  }
0x98: {  	_ =	sdelay $0x1  }
0x99: {  	s23 =	sshra.s32 s22, $0x2;
	s22 =	sadd.s32 $0x40, s22;
	v9 =	vadd.s32 v7, v8  }
0x9a: {  	v8 =	vld [tilespmem:s23+$0x0];
	[tilespmem:s21+$0x400] =	vst v9;
	s21 =	smov.u32 s23  }
0x9b: {  	_ =	sdelay $0x3  }
0x9c: {  	v8 =	vadd.s32 v7, v8  }
0x9d: {  	[tilespmem:s21+$0x400] =	vst v8  }
0x9e: {  	[tilespmem:s18], [sflag:$0x1] =	stream.indirect.gather [hbm4b:s2+s16], $0x1, s16, s16, $0xb8;
	[tilespmem:$0xC00] =	vst v63  }
0x9f: {  	s20 =	sadd.s32 $0x1, s20;
	_ =	swait.ge [sflag:s19], $0x400  }
0xa0: {  	p0 =	sne.s32 s20, s14;
	[sflag:s19] =	ssyncset.done $0x0  }
.Ltmp8:
0xa1: {  	[sflag:s19] =	ssyncadd.s32 $0xFFFFFC00;
	(pc) =	sbr.rel @p0 .LBB2_1-.Ltmp8, $4  }
0xa2: {  	[hbm4b:s13+s15] =	stream.strided.scatter [tilespmem:s18], [sflag:$0x2], $0x400, s16, s15, $0x38;
	[tilespmem:$0xC00] =	vst v63  }
0xa3: {  	_ =	swait.ge [sflag:s17], $0x400  }
0xa4: {  	[sflag:s17] =	ssyncset.done $0x0  }
0xa5: {  	[sflag:s17] =	ssyncadd.s32 $0xFFFFFC00  }
0xa6: {  	_ =	sfence.sel $0x180000  }
0xa7: {  	[bflag:$0x0] =	sbarrier.arrive $0xFFFF  }
0xa8: {  	p0 =	sne.s32 s1, $0x0;
	_ =	strace $0x90000047  }
0xa9: {  	s0 =	sadd.s32 @!p0 $0x100000, s0;
	[bflag:$0x2] =	sbarrier.arrive $0xFFFF  }
0xaa: {  	[sflag:s0] =	ssyncadd.tile.s32 @!p0 $0x1;
	_ =	shalt  }
.Lfunc_end2:
_tile_overlayer_lowered:
.L_overlay_start_2:
0xab: {  	(tag) =	ssettag $0x2  }
0xac: {  	s0 =	rddreg [dreg:$0x0];
	s2 =	stileid.u32  }
0xad: {  	s1 =	rddreg [dreg:$0x1];
	p0 =	sne.s32 s2, $0x0  }
0xae: {  	s3 =	rddreg [dreg:$0x2];
	[bflag:$0x3] =	sbarrier.arrive $0xFFFF;
	s2 =	simm.s32 @!p0 $0x1C02  }
0xaf: {  	[timem:s3], [sflag:s2] =	dma.local @!p0 [hbm:s0], s1  }
0xb0: {  	s0 =	simm.s32 @!p0 $0x2  }
0xb1: {  	_ =	swait.ge @!p0 [sflag:s0], s1  }
0xb2: {  	s1 =	ssub.s32 @!p0 $0x0, s1;
	[sflag:s0] =	ssyncset.done @!p0 $0x0  }
0xb3: {  	[sflag:s0] =	ssyncadd.s32 @!p0 s1  }
0xb4: {  	[bflag:$0x3] =	sbarrier.arrive $0xFFFF  }
0xb5: {  	_ =	shalt  }

</sc_bundles>
